<compile_context>
chip_gen: v7x
topology: tpu7x:2x2x1
jax: 0.10.2.dev20260603
libtpu: 0.0.44.dev20260713+nightly
codegen_flags: <defaults>
</compile_context>

<pallas_src>
import functools

import jax
import jax.numpy as jnp
from jax import lax
from jax.experimental import pallas as pl
from jax.experimental.pallas import tpu as pltpu
from jax.experimental.pallas import tpu_sc as plsc

_VOCAB = 1000000
_MAXLEN = 200
_EMBED = 64
_BATCH = 4096

_NC = 2
_NS = 16
_NW = _NC * _NS
_SEQ_PER_W = _BATCH // _NW
_CHUNK_ROWS = _MAXLEN
_N_CHUNKS = _SEQ_PER_W
_SPLITS = ((0, 128), (128, 72))
_NSLOT = 2
_NIDX = 4


def _emb_body(x_hbm, tok_hbm, pos_hbm, out_hbm, idx_v, rows_v, obuf_v, pos_v,
              gsem, isem, osem):
    wid = lax.axis_index("s") * _NC + lax.axis_index("c")
    row_base = wid * _SEQ_PER_W * _MAXLEN

    def chunk_row0(g):
        return pl.multiple_of(row_base + g * _CHUNK_ROWS, 8)

    def idx_fire(g, u):
        return pltpu.async_copy(
            x_hbm.at[pl.ds(chunk_row0(g), _CHUNK_ROWS)], idx_v[u], isem[u])

    def idx_wait(u):
        pltpu.make_async_copy(
            x_hbm.at[pl.ds(0, _CHUNK_ROWS)], idx_v[u], isem[u]).wait()

    def gather_fire(u, t):
        for (o, n) in _SPLITS:
            pltpu.async_copy(
                tok_hbm.at[idx_v[u].at[pl.ds(o, n)]],
                rows_v[t].at[pl.ds(o, n), :],
                gsem[t])

    def gather_wait(u, t):
        for (o, n) in _SPLITS:
            pltpu.make_async_copy(
                tok_hbm.at[idx_v[u].at[pl.ds(o, n)]],
                rows_v[t].at[pl.ds(o, n), :],
                gsem[t]).wait()

    def wb_fire(g, t):
        pltpu.async_copy(
            obuf_v[t], out_hbm.at[pl.ds(chunk_row0(g), _CHUNK_ROWS), :],
            osem[t])

    def wb_wait(g, t):
        pltpu.make_async_copy(
            obuf_v[t], out_hbm.at[pl.ds(chunk_row0(g), _CHUNK_ROWS), :],
            osem[t]).wait()

    def add_pos(t):
        rows = rows_v[t]
        ob = obuf_v[t]

        def pbody(p, carry):
            for q in range(4):
                sl = pl.ds(q * 16, 16)
                ob[p, sl] = rows[p, sl] + pos_v[p, sl]
            return carry

        lax.fori_loop(0, _MAXLEN, pbody, 0)

    pltpu.sync_copy(pos_hbm, pos_v)

    idx_fire(0, 0).wait()
    idx_fire(1, 1).wait()
    gather_fire(0, 0)
    gather_fire(1, 1)
    idx_fire(2, 2)
    idx_fire(3, 3)

    n_outer = _N_CHUNKS // _NIDX

    def body(i, carry):
        for s in range(_NIDX):
            g = i * _NIDX + s
            rs = s % _NSLOT
            gather_wait(s, rs)
            if s < _NSLOT:
                @pl.when(i > 0)
                def _():
                    wb_wait(g - _NSLOT, rs)
            else:
                wb_wait(g - _NSLOT, rs)
            add_pos(rs)
            if s < _NSLOT:
                idx_wait((s + _NSLOT) % _NIDX)
                gather_fire((s + _NSLOT) % _NIDX, rs)
            else:
                @pl.when(i < n_outer - 1)
                def _():
                    idx_wait((s + _NSLOT) % _NIDX)
                    gather_fire((s + _NSLOT) % _NIDX, rs)
            @pl.when(i < n_outer - 1)
            def _():
                idx_fire(g + _NIDX, s)
            wb_fire(g, rs)
        return carry

    lax.fori_loop(0, n_outer, body, 0)

    for s in range(_NSLOT):
        wb_wait(_N_CHUNKS - _NSLOT + s, s)


@jax.jit
def _emb(xf, tok128, pos_table):
    mesh = plsc.VectorSubcoreMesh(core_axis_name="c", subcore_axis_name="s")
    f = functools.partial(
        pl.kernel,
        out_type=jax.ShapeDtypeStruct((_BATCH * _MAXLEN, _EMBED), jnp.float32),
        mesh=mesh,
        compiler_params=pltpu.CompilerParams(use_tc_tiling_on_sc=True),
        scratch_types=[
            [pltpu.VMEM((_CHUNK_ROWS,), jnp.int32)] * _NIDX,
            [pltpu.VMEM((_CHUNK_ROWS, 2 * _EMBED), jnp.float32)] * _NSLOT,
            [pltpu.VMEM((_CHUNK_ROWS, _EMBED), jnp.float32)] * _NSLOT,
            pltpu.VMEM((_MAXLEN, _EMBED), jnp.float32),
            [pltpu.SemaphoreType.DMA] * _NSLOT,
            [pltpu.SemaphoreType.DMA] * _NIDX,
            [pltpu.SemaphoreType.DMA] * _NSLOT,
        ],
    )(_emb_body)
    return f(xf, tok128, pos_table)


def kernel(x, token_table, pos_table):
    xf = x.astype(jnp.int32).reshape(_BATCH * _MAXLEN)
    tok128 = jnp.pad(token_table, ((0, 0), (0, 2 * _EMBED - token_table.shape[1])))
    out = _emb(xf, tok128, pos_table)
    return out.reshape(_BATCH, _MAXLEN, _EMBED)

# --- scband reference (transcript-rebuilt; emitter-appended) ---
"""Pipeline reference for scband-positional-embedding-34230889349417 (READ-ONLY COPY).

The authoritative reference and input builder live on the scoring server;
editing this copy changes nothing except your own understanding.
"""

import jax, jax.numpy as jnp
import numpy as np

VOCAB = 1000000
MAXLEN = 200
EMBED = 64
BATCH = 4096

def setup_inputs(seed: int = 0) -> dict:
    key = jax.random.key(seed)
    k1, k2, k3 = jax.random.split(key, 3)
    x = jax.random.randint(k1, (BATCH, MAXLEN), 0, VOCAB, dtype=jnp.int64 if jax.config.jax_enable_x64 else jnp.int32)
    token_table = jax.random.normal(k2, (VOCAB, EMBED), dtype=jnp.float32) * 0.02
    pos_table = jax.random.normal(k3, (MAXLEN, EMBED), dtype=jnp.float32) * 0.02
    return {"x": x, "token_table": token_table, "pos_table": pos_table}

def reference(x, token_table, pos_table):
    maxlen = x.shape[-1]
    positions = jnp.arange(0, maxlen)
    pos = jnp.take(pos_table, positions, axis=0)          # [maxlen, embed]
    tok = jnp.take(token_table, x, axis=0)                # [B, maxlen, embed]
    return tok + pos[None, :, :]

if __name__ == "__main__":
    import jax
    _d = setup_inputs()
    print(jax.jit(kernel)(*tuple(_d.values())))

</pallas_src>

<mosaic_0001>
#map = affine_map<(d0, d1) -> (0)>
#map1 = affine_map<(d0, d1) -> (0, 0)>
module attributes {stable_mosaic.version = 14 : i64} {
  func.func @_emb_body(%arg0: i32, %arg1: i32, %arg2: memref<819200xi32, #tpu.memory_space<hbm>>, %arg3: memref<1000000x128xf32, #tpu.memory_space<hbm>>, %arg4: memref<200x64xf32, #tpu.memory_space<hbm>>, %arg5: memref<819200x64xf32, #tpu.memory_space<hbm>>, %arg6: memref<200xi32, #tpu.memory_space<vmem>>, %arg7: memref<200xi32, #tpu.memory_space<vmem>>, %arg8: memref<200xi32, #tpu.memory_space<vmem>>, %arg9: memref<200xi32, #tpu.memory_space<vmem>>, %arg10: memref<200x128xf32, #tpu.memory_space<vmem>>, %arg11: memref<200x128xf32, #tpu.memory_space<vmem>>, %arg12: memref<200x64xf32, #tpu.memory_space<vmem>>, %arg13: memref<200x64xf32, #tpu.memory_space<vmem>>, %arg14: memref<200x64xf32, #tpu.memory_space<vmem>>, %arg15: memref<!tpu.dma_semaphore, #tpu.memory_space<semaphore_mem>>, %arg16: memref<!tpu.dma_semaphore, #tpu.memory_space<semaphore_mem>>, %arg17: memref<!tpu.dma_semaphore, #tpu.memory_space<semaphore_mem>>, %arg18: memref<!tpu.dma_semaphore, #tpu.memory_space<semaphore_mem>>, %arg19: memref<!tpu.dma_semaphore, #tpu.memory_space<semaphore_mem>>, %arg20: memref<!tpu.dma_semaphore, #tpu.memory_space<semaphore_mem>>, %arg21: memref<!tpu.dma_semaphore, #tpu.memory_space<semaphore_mem>>, %arg22: memref<!tpu.dma_semaphore, #tpu.memory_space<semaphore_mem>>) attributes {dimension_semantics = [#tpu.dimension_semantics<core_parallel>, #tpu.dimension_semantics<subcore_parallel>], iteration_bounds = array<i64: 2, 16>, scalar_prefetch = 0 : i64, scratch_operands = 17 : i64, tpu.core_type = #tpu.core_type<sc_vector_subcore>, window_params = [{transform_indices = #map}, {transform_indices = #map1}, {transform_indices = #map1}, {transform_indices = #map1}]} {
    %mul3A = arith.constant 2 : i32
    %mul3A_0 = arith.muli %arg1, %mul3A : i32
    %add3A = arith.addi %mul3A_0, %arg0 : i32
    %mul3A_1 = arith.constant 128 : i32
    %mul3A_2 = arith.muli %add3A, %mul3A_1 : i32
    %mul3A_3 = arith.constant 200 : i32
    %mul3A_4 = arith.muli %mul3A_2, %mul3A_3 : i32
    "tpu.region"() ({
      %run_scoped3A = tpu.sem_alloc : memref<!tpu.dma_semaphore, #tpu.memory_space<semaphore_mem>>
      tpu.enqueue_dma source(%arg4 : memref<200x64xf32, #tpu.memory_space<hbm>>) target(%arg14 : memref<200x64xf32, #tpu.memory_space<vmem>>) target_semaphore(%run_scoped3A : memref<!tpu.dma_semaphore, #tpu.memory_space<semaphore_mem>>)
      tpu.wait_dma2 semaphore(%run_scoped3A : memref<!tpu.dma_semaphore, #tpu.memory_space<semaphore_mem>>) src(%arg4 : memref<200x64xf32, #tpu.memory_space<hbm>>) dst(%arg14 : memref<200x64xf32, #tpu.memory_space<vmem>>)
      tpu.yield
    }) : () -> ()
    %add3A_5 = arith.constant 0 : i32
    %add3A_6 = arith.addi %mul3A_4, %add3A_5 : i32
    %multiple_of3A = tpu.assume_multiple %add3A_6, 8 : i32
    %dma_start3A = tpu.memref_slice %arg2[%multiple_of3A] : memref<819200xi32, #tpu.memory_space<hbm>> -> memref<200xi32, #tpu.memory_space<hbm>>
    %dma_start3A_7 = tpu.memref_slice %arg2[%multiple_of3A] : memref<819200xi32, #tpu.memory_space<hbm>> -> memref<200xi32, #tpu.memory_space<hbm>>
    tpu.enqueue_dma source(%dma_start3A_7 : memref<200xi32, #tpu.memory_space<hbm>>) target(%arg6 : memref<200xi32, #tpu.memory_space<vmem>>) target_semaphore(%arg17 : memref<!tpu.dma_semaphore, #tpu.memory_space<semaphore_mem>>)
    %dma_wait3A = tpu.memref_slice %arg2[%multiple_of3A] : memref<819200xi32, #tpu.memory_space<hbm>> -> memref<200xi32, #tpu.memory_space<hbm>>
    %dma_wait3A_8 = tpu.memref_slice %arg2[%multiple_of3A] : memref<819200xi32, #tpu.memory_space<hbm>> -> memref<200xi32, #tpu.memory_space<hbm>>
    tpu.wait_dma2 semaphore(%arg17 : memref<!tpu.dma_semaphore, #tpu.memory_space<semaphore_mem>>) src(%dma_wait3A_8 : memref<200xi32, #tpu.memory_space<hbm>>) dst(%arg6 : memref<200xi32, #tpu.memory_space<vmem>>)
    %add3A_9 = arith.constant 200 : i32
    %add3A_10 = arith.addi %mul3A_4, %add3A_9 : i32
    %multiple_of3A_11 = tpu.assume_multiple %add3A_10, 8 : i32
    %dma_start3A_12 = tpu.memref_slice %arg2[%multiple_of3A_11] : memref<819200xi32, #tpu.memory_space<hbm>> -> memref<200xi32, #tpu.memory_space<hbm>>
    %dma_start3A_13 = tpu.memref_slice %arg2[%multiple_of3A_11] : memref<819200xi32, #tpu.memory_space<hbm>> -> memref<200xi32, #tpu.memory_space<hbm>>
    tpu.enqueue_dma source(%dma_start3A_13 : memref<200xi32, #tpu.memory_space<hbm>>) target(%arg7 : memref<200xi32, #tpu.memory_space<vmem>>) target_semaphore(%arg18 : memref<!tpu.dma_semaphore, #tpu.memory_space<semaphore_mem>>)
    %dma_wait3A_14 = tpu.memref_slice %arg2[%multiple_of3A_11] : memref<819200xi32, #tpu.memory_space<hbm>> -> memref<200xi32, #tpu.memory_space<hbm>>
    %dma_wait3A_15 = tpu.memref_slice %arg2[%multiple_of3A_11] : memref<819200xi32, #tpu.memory_space<hbm>> -> memref<200xi32, #tpu.memory_space<hbm>>
    tpu.wait_dma2 semaphore(%arg18 : memref<!tpu.dma_semaphore, #tpu.memory_space<semaphore_mem>>) src(%dma_wait3A_15 : memref<200xi32, #tpu.memory_space<hbm>>) dst(%arg7 : memref<200xi32, #tpu.memory_space<vmem>>)
    %dma_start3A_16 = arith.constant 0 : i32
    %dma_start3A_17 = arith.constant 0 : i32
    %dma_start3A_18 = tpu.memref_slice %arg10[%dma_start3A_16, %dma_start3A_17] : memref<200x128xf32, #tpu.memory_space<vmem>> -> memref<128x128xf32, #tpu.memory_space<vmem>>
    %dma_start3A_19 = arith.constant 0 : i32
    %dma_start3A_20 = tpu.memref_slice %arg6[%dma_start3A_19] : memref<200xi32, #tpu.memory_space<vmem>> -> memref<128xi32, #tpu.memory_space<vmem>>
    %dma_start3A_21 = arith.constant 0 : i32
    %dma_start3A_22 = arith.constant 0 : i32
    %dma_start3A_23 = tpu.memref_slice %arg3[%dma_start3A_21, %dma_start3A_22] : memref<1000000x128xf32, #tpu.memory_space<hbm>> -> memref<1000000x128xf32, #tpu.memory_space<hbm>>
    tpu.enqueue_indirect_dma source(%dma_start3A_23 : memref<1000000x128xf32, #tpu.memory_space<hbm>>) target(%dma_start3A_18 : memref<128x128xf32, #tpu.memory_space<vmem>>) offsets(%dma_start3A_20 : memref<128xi32, #tpu.memory_space<vmem>>) semaphore(%arg15 : memref<!tpu.dma_semaphore, #tpu.memory_space<semaphore_mem>>)
    %dma_start3A_24 = arith.constant 128 : i32
    %dma_start3A_25 = arith.constant 0 : i32
    %dma_start3A_26 = tpu.memref_slice %arg10[%dma_start3A_24, %dma_start3A_25] : memref<200x128xf32, #tpu.memory_space<vmem>> -> memref<72x128xf32, #tpu.memory_space<vmem>>
    %dma_start3A_27 = arith.constant 128 : i32
    %dma_start3A_28 = tpu.memref_slice %arg6[%dma_start3A_27] : memref<200xi32, #tpu.memory_space<vmem>> -> memref<72xi32, #tpu.memory_space<vmem>>
    %dma_start3A_29 = arith.constant 0 : i32
    %dma_start3A_30 = arith.constant 0 : i32
    %dma_start3A_31 = tpu.memref_slice %arg3[%dma_start3A_29, %dma_start3A_30] : memref<1000000x128xf32, #tpu.memory_space<hbm>> -> memref<1000000x128xf32, #tpu.memory_space<hbm>>
    tpu.enqueue_indirect_dma source(%dma_start3A_31 : memref<1000000x128xf32, #tpu.memory_space<hbm>>) target(%dma_start3A_26 : memref<72x128xf32, #tpu.memory_space<vmem>>) offsets(%dma_start3A_28 : memref<72xi32, #tpu.memory_space<vmem>>) semaphore(%arg15 : memref<!tpu.dma_semaphore, #tpu.memory_space<semaphore_mem>>)
    %dma_start3A_32 = arith.constant 0 : i32
    %dma_start3A_33 = arith.constant 0 : i32
    %dma_start3A_34 = tpu.memref_slice %arg11[%dma_start3A_32, %dma_start3A_33] : memref<200x128xf32, #tpu.memory_space<vmem>> -> memref<128x128xf32, #tpu.memory_space<vmem>>
    %dma_start3A_35 = arith.constant 0 : i32
    %dma_start3A_36 = tpu.memref_slice %arg7[%dma_start3A_35] : memref<200xi32, #tpu.memory_space<vmem>> -> memref<128xi32, #tpu.memory_space<vmem>>
    %dma_start3A_37 = arith.constant 0 : i32
    %dma_start3A_38 = arith.constant 0 : i32
    %dma_start3A_39 = tpu.memref_slice %arg3[%dma_start3A_37, %dma_start3A_38] : memref<1000000x128xf32, #tpu.memory_space<hbm>> -> memref<1000000x128xf32, #tpu.memory_space<hbm>>
    tpu.enqueue_indirect_dma source(%dma_start3A_39 : memref<1000000x128xf32, #tpu.memory_space<hbm>>) target(%dma_start3A_34 : memref<128x128xf32, #tpu.memory_space<vmem>>) offsets(%dma_start3A_36 : memref<128xi32, #tpu.memory_space<vmem>>) semaphore(%arg16 : memref<!tpu.dma_semaphore, #tpu.memory_space<semaphore_mem>>)
    %dma_start3A_40 = arith.constant 128 : i32
    %dma_start3A_41 = arith.constant 0 : i32
    %dma_start3A_42 = tpu.memref_slice %arg11[%dma_start3A_40, %dma_start3A_41] : memref<200x128xf32, #tpu.memory_space<vmem>> -> memref<72x128xf32, #tpu.memory_space<vmem>>
    %dma_start3A_43 = arith.constant 128 : i32
    %dma_start3A_44 = tpu.memref_slice %arg7[%dma_start3A_43] : memref<200xi32, #tpu.memory_space<vmem>> -> memref<72xi32, #tpu.memory_space<vmem>>
    %dma_start3A_45 = arith.constant 0 : i32
    %dma_start3A_46 = arith.constant 0 : i32
    %dma_start3A_47 = tpu.memref_slice %arg3[%dma_start3A_45, %dma_start3A_46] : memref<1000000x128xf32, #tpu.memory_space<hbm>> -> memref<1000000x128xf32, #tpu.memory_space<hbm>>
    tpu.enqueue_indirect_dma source(%dma_start3A_47 : memref<1000000x128xf32, #tpu.memory_space<hbm>>) target(%dma_start3A_42 : memref<72x128xf32, #tpu.memory_space<vmem>>) offsets(%dma_start3A_44 : memref<72xi32, #tpu.memory_space<vmem>>) semaphore(%arg16 : memref<!tpu.dma_semaphore, #tpu.memory_space<semaphore_mem>>)
    %add3A_48 = arith.constant 400 : i32
    %add3A_49 = arith.addi %mul3A_4, %add3A_48 : i32
    %multiple_of3A_50 = tpu.assume_multiple %add3A_49, 8 : i32
    %dma_start3A_51 = tpu.memref_slice %arg2[%multiple_of3A_50] : memref<819200xi32, #tpu.memory_space<hbm>> -> memref<200xi32, #tpu.memory_space<hbm>>
    %dma_start3A_52 = tpu.memref_slice %arg2[%multiple_of3A_50] : memref<819200xi32, #tpu.memory_space<hbm>> -> memref<200xi32, #tpu.memory_space<hbm>>
    tpu.enqueue_dma source(%dma_start3A_52 : memref<200xi32, #tpu.memory_space<hbm>>) target(%arg8 : memref<200xi32, #tpu.memory_space<vmem>>) target_semaphore(%arg19 : memref<!tpu.dma_semaphore, #tpu.memory_space<semaphore_mem>>)
    %add3A_53 = arith.constant 600 : i32
    %add3A_54 = arith.addi %mul3A_4, %add3A_53 : i32
    %multiple_of3A_55 = tpu.assume_multiple %add3A_54, 8 : i32
    %dma_start3A_56 = tpu.memref_slice %arg2[%multiple_of3A_55] : memref<819200xi32, #tpu.memory_space<hbm>> -> memref<200xi32, #tpu.memory_space<hbm>>
    %dma_start3A_57 = tpu.memref_slice %arg2[%multiple_of3A_55] : memref<819200xi32, #tpu.memory_space<hbm>> -> memref<200xi32, #tpu.memory_space<hbm>>
    tpu.enqueue_dma source(%dma_start3A_57 : memref<200xi32, #tpu.memory_space<hbm>>) target(%arg9 : memref<200xi32, #tpu.memory_space<vmem>>) target_semaphore(%arg20 : memref<!tpu.dma_semaphore, #tpu.memory_space<semaphore_mem>>)
    %scan3A = arith.constant 0 : i32
    %scan3A_58 = arith.constant 0 : i32
    %scan3A_59 = arith.constant 32 : i32
    %scan3A_60 = arith.addi %scan3A_58, %scan3A_59 : i32
    %scan3A_61 = arith.constant 1 : i32
    scf.for %scan3A_77 = %scan3A_58 to %scan3A_60 step %scan3A_61  : i32 {
      %mul3A_78 = arith.constant 4 : i32
      %mul3A_79 = arith.muli %scan3A_77, %mul3A_78 : i32
      %add3A_80 = arith.constant 0 : i32
      %add3A_81 = arith.addi %mul3A_79, %add3A_80 : i32
      %dma_wait3A_82 = arith.constant 0 : i32
      %dma_wait3A_83 = arith.constant 0 : i32
      %dma_wait3A_84 = tpu.memref_slice %arg10[%dma_wait3A_82, %dma_wait3A_83] : memref<200x128xf32, #tpu.memory_space<vmem>> -> memref<128x128xf32, #tpu.memory_space<vmem>>
      %dma_wait3A_85 = arith.constant 0 : i32
      %dma_wait3A_86 = tpu.memref_slice %arg6[%dma_wait3A_85] : memref<200xi32, #tpu.memory_space<vmem>> -> memref<128xi32, #tpu.memory_space<vmem>>
      %dma_wait3A_87 = arith.constant 0 : i32
      %dma_wait3A_88 = arith.constant 0 : i32
      %dma_wait3A_89 = tpu.memref_slice %arg3[%dma_wait3A_87, %dma_wait3A_88] : memref<1000000x128xf32, #tpu.memory_space<hbm>> -> memref<1000000x128xf32, #tpu.memory_space<hbm>>
      tpu.wait_indirect_dma semaphore(%arg15 : memref<!tpu.dma_semaphore, #tpu.memory_space<semaphore_mem>>) src(%dma_wait3A_89 : memref<1000000x128xf32, #tpu.memory_space<hbm>>) dst(%dma_wait3A_84 : memref<128x128xf32, #tpu.memory_space<vmem>>)
      %dma_wait3A_90 = arith.constant 128 : i32
      %dma_wait3A_91 = arith.constant 0 : i32
      %dma_wait3A_92 = tpu.memref_slice %arg10[%dma_wait3A_90, %dma_wait3A_91] : memref<200x128xf32, #tpu.memory_space<vmem>> -> memref<72x128xf32, #tpu.memory_space<vmem>>
      %dma_wait3A_93 = arith.constant 128 : i32
      %dma_wait3A_94 = tpu.memref_slice %arg6[%dma_wait3A_93] : memref<200xi32, #tpu.memory_space<vmem>> -> memref<72xi32, #tpu.memory_space<vmem>>
      %dma_wait3A_95 = arith.constant 0 : i32
      %dma_wait3A_96 = arith.constant 0 : i32
      %dma_wait3A_97 = tpu.memref_slice %arg3[%dma_wait3A_95, %dma_wait3A_96] : memref<1000000x128xf32, #tpu.memory_space<hbm>> -> memref<1000000x128xf32, #tpu.memory_space<hbm>>
      tpu.wait_indirect_dma semaphore(%arg15 : memref<!tpu.dma_semaphore, #tpu.memory_space<semaphore_mem>>) src(%dma_wait3A_97 : memref<1000000x128xf32, #tpu.memory_space<hbm>>) dst(%dma_wait3A_92 : memref<72x128xf32, #tpu.memory_space<vmem>>)
      %gt3A = arith.constant 0 : i32
      %gt3A_98 = arith.cmpi sgt, %scan3A_77, %gt3A : i32
      %convert_element_type3A = arith.extui %gt3A_98 : i1 to i32
      %cond3A = arith.constant 0 : i32
      %cond3A_99 = arith.cmpi ne, %convert_element_type3A, %cond3A : i32
      scf.if %cond3A_99 {
        %sub3A_309 = arith.constant 2 : i32
        %sub3A_310 = arith.subi %add3A_81, %sub3A_309 : i32
        %mul3A_311 = arith.constant 200 : i32
        %mul3A_312 = arith.muli %sub3A_310, %mul3A_311 : i32
        %add3A_313 = arith.addi %mul3A_4, %mul3A_312 : i32
        %multiple_of3A_314 = tpu.assume_multiple %add3A_313, 8 : i32
        %dma_wait3A_315 = arith.constant 0 : i32
        %dma_wait3A_316 = tpu.memref_slice %arg5[%multiple_of3A_314, %dma_wait3A_315] : memref<819200x64xf32, #tpu.memory_space<hbm>> -> memref<200x64xf32, #tpu.memory_space<hbm>>
        %dma_wait3A_317 = arith.constant 0 : i32
        %dma_wait3A_318 = tpu.memref_slice %arg5[%multiple_of3A_314, %dma_wait3A_317] : memref<819200x64xf32, #tpu.memory_space<hbm>> -> memref<200x64xf32, #tpu.memory_space<hbm>>
        tpu.wait_dma2 semaphore(%arg21 : memref<!tpu.dma_semaphore, #tpu.memory_space<semaphore_mem>>) src(%arg12 : memref<200x64xf32, #tpu.memory_space<vmem>>) dst(%dma_wait3A_318 : memref<200x64xf32, #tpu.memory_space<hbm>>)
      } else {
      }
      %scan3A_100 = arith.constant 0 : i32
      %scan3A_101 = arith.constant 0 : i32
      %scan3A_102 = arith.constant 200 : i32
      %scan3A_103 = arith.addi %scan3A_101, %scan3A_102 : i32
      %scan3A_104 = arith.constant 1 : i32
      scf.for %scan3A_309 = %scan3A_101 to %scan3A_103 step %scan3A_104  : i32 {
        %get3A = arith.index_cast %scan3A_309 : i32 to index
        %get3A_310 = arith.constant 0 : index
        %get3A_311 = tpu.vector_load %arg10[%get3A, %get3A_310] {strides = array<i32>} : memref<200x128xf32, #tpu.memory_space<vmem>>, vector<1x16xf32>,
        %get3A_312 = vector.shape_cast %get3A_311 : vector<1x16xf32> to vector<16xf32>
        %get3A_313 = arith.index_cast %scan3A_309 : i32 to index
        %get3A_314 = arith.constant 0 : index
        %get3A_315 = tpu.vector_load %arg14[%get3A_313, %get3A_314] {strides = array<i32>} : memref<200x64xf32, #tpu.memory_space<vmem>>, vector<1x16xf32>,
        %get3A_316 = vector.shape_cast %get3A_315 : vector<1x16xf32> to vector<16xf32>
        %add3A_317 = arith.addf %get3A_312, %get3A_316 : vector<16xf32>
        %swap3A = arith.index_cast %scan3A_309 : i32 to index
        %swap3A_318 = arith.constant 0 : index
        %swap3A_319 = tpu.vector_load %arg12[%swap3A, %swap3A_318] {strides = array<i32>} : memref<200x64xf32, #tpu.memory_space<vmem>>, vector<1x16xf32>,
        %swap3A_320 = vector.shape_cast %swap3A_319 : vector<1x16xf32> to vector<16xf32>
        %swap3A_321 = vector.shape_cast %add3A_317 : vector<16xf32> to vector<1x16xf32>
        tpu.vector_store %arg12[%swap3A, %swap3A_318], %swap3A_321 {strides = array<i32>} : memref<200x64xf32, #tpu.memory_space<vmem>>, vector<1x16xf32>,
        %get3A_322 = arith.index_cast %scan3A_309 : i32 to index
        %get3A_323 = arith.constant 16 : index
        %get3A_324 = tpu.vector_load %arg10[%get3A_322, %get3A_323] {strides = array<i32>} : memref<200x128xf32, #tpu.memory_space<vmem>>, vector<1x16xf32>,
        %get3A_325 = vector.shape_cast %get3A_324 : vector<1x16xf32> to vector<16xf32>
        %get3A_326 = arith.index_cast %scan3A_309 : i32 to index
        %get3A_327 = arith.constant 16 : index
        %get3A_328 = tpu.vector_load %arg14[%get3A_326, %get3A_327] {strides = array<i32>} : memref<200x64xf32, #tpu.memory_space<vmem>>, vector<1x16xf32>,
        %get3A_329 = vector.shape_cast %get3A_328 : vector<1x16xf32> to vector<16xf32>
        %add3A_330 = arith.addf %get3A_325, %get3A_329 : vector<16xf32>
        %swap3A_331 = arith.index_cast %scan3A_309 : i32 to index
        %swap3A_332 = arith.constant 16 : index
        %swap3A_333 = tpu.vector_load %arg12[%swap3A_331, %swap3A_332] {strides = array<i32>} : memref<200x64xf32, #tpu.memory_space<vmem>>, vector<1x16xf32>,
        %swap3A_334 = vector.shape_cast %swap3A_333 : vector<1x16xf32> to vector<16xf32>
        %swap3A_335 = vector.shape_cast %add3A_330 : vector<16xf32> to vector<1x16xf32>
        tpu.vector_store %arg12[%swap3A_331, %swap3A_332], %swap3A_335 {strides = array<i32>} : memref<200x64xf32, #tpu.memory_space<vmem>>, vector<1x16xf32>,
        %get3A_336 = arith.index_cast %scan3A_309 : i32 to index
        %get3A_337 = arith.constant 32 : index
        %get3A_338 = tpu.vector_load %arg10[%get3A_336, %get3A_337] {strides = array<i32>} : memref<200x128xf32, #tpu.memory_space<vmem>>, vector<1x16xf32>,
        %get3A_339 = vector.shape_cast %get3A_338 : vector<1x16xf32> to vector<16xf32>
        %get3A_340 = arith.index_cast %scan3A_309 : i32 to index
        %get3A_341 = arith.constant 32 : index
        %get3A_342 = tpu.vector_load %arg14[%get3A_340, %get3A_341] {strides = array<i32>} : memref<200x64xf32, #tpu.memory_space<vmem>>, vector<1x16xf32>,
        %get3A_343 = vector.shape_cast %get3A_342 : vector<1x16xf32> to vector<16xf32>
        %add3A_344 = arith.addf %get3A_339, %get3A_343 : vector<16xf32>
        %swap3A_345 = arith.index_cast %scan3A_309 : i32 to index
        %swap3A_346 = arith.constant 32 : index
        %swap3A_347 = tpu.vector_load %arg12[%swap3A_345, %swap3A_346] {strides = array<i32>} : memref<200x64xf32, #tpu.memory_space<vmem>>, vector<1x16xf32>,
        %swap3A_348 = vector.shape_cast %swap3A_347 : vector<1x16xf32> to vector<16xf32>
        %swap3A_349 = vector.shape_cast %add3A_344 : vector<16xf32> to vector<1x16xf32>
        tpu.vector_store %arg12[%swap3A_345, %swap3A_346], %swap3A_349 {strides = array<i32>} : memref<200x64xf32, #tpu.memory_space<vmem>>, vector<1x16xf32>,
        %get3A_350 = arith.index_cast %scan3A_309 : i32 to index
        %get3A_351 = arith.constant 48 : index
        %get3A_352 = tpu.vector_load %arg10[%get3A_350, %get3A_351] {strides = array<i32>} : memref<200x128xf32, #tpu.memory_space<vmem>>, vector<1x16xf32>,
        %get3A_353 = vector.shape_cast %get3A_352 : vector<1x16xf32> to vector<16xf32>
        %get3A_354 = arith.index_cast %scan3A_309 : i32 to index
        %get3A_355 = arith.constant 48 : index
        %get3A_356 = tpu.vector_load %arg14[%get3A_354, %get3A_355] {strides = array<i32>} : memref<200x64xf32, #tpu.memory_space<vmem>>, vector<1x16xf32>,
        %get3A_357 = vector.shape_cast %get3A_356 : vector<1x16xf32> to vector<16xf32>
        %add3A_358 = arith.addf %get3A_353, %get3A_357 : vector<16xf32>
        %swap3A_359 = arith.index_cast %scan3A_309 : i32 to index
        %swap3A_360 = arith.constant 48 : index
        %swap3A_361 = tpu.vector_load %arg12[%swap3A_359, %swap3A_360] {strides = array<i32>} : memref<200x64xf32, #tpu.memory_space<vmem>>, vector<1x16xf32>,
        %swap3A_362 = vector.shape_cast %swap3A_361 : vector<1x16xf32> to vector<16xf32>
        %swap3A_363 = vector.shape_cast %add3A_358 : vector<16xf32> to vector<1x16xf32>
        tpu.vector_store %arg12[%swap3A_359, %swap3A_360], %swap3A_363 {strides = array<i32>} : memref<200x64xf32, #tpu.memory_space<vmem>>, vector<1x16xf32>,
      }
      %scan3A_105 = arith.constant 200 : i32
      %dma_wait3A_106 = arith.constant 0 : i32
      %dma_wait3A_107 = tpu.memref_slice %arg2[%dma_wait3A_106] : memref<819200xi32, #tpu.memory_space<hbm>> -> memref<200xi32, #tpu.memory_space<hbm>>
      %dma_wait3A_108 = arith.constant 0 : i32
      %dma_wait3A_109 = tpu.memref_slice %arg2[%dma_wait3A_108] : memref<819200xi32, #tpu.memory_space<hbm>> -> memref<200xi32, #tpu.memory_space<hbm>>
      tpu.wait_dma2 semaphore(%arg19 : memref<!tpu.dma_semaphore, #tpu.memory_space<semaphore_mem>>) src(%dma_wait3A_109 : memref<200xi32, #tpu.memory_space<hbm>>) dst(%arg8 : memref<200xi32, #tpu.memory_space<vmem>>)
      %dma_start3A_110 = arith.constant 0 : i32
      %dma_start3A_111 = arith.constant 0 : i32
      %dma_start3A_112 = tpu.memref_slice %arg10[%dma_start3A_110, %dma_start3A_111] : memref<200x128xf32, #tpu.memory_space<vmem>> -> memref<128x128xf32, #tpu.memory_space<vmem>>
      %dma_start3A_113 = arith.constant 0 : i32
      %dma_start3A_114 = tpu.memref_slice %arg8[%dma_start3A_113] : memref<200xi32, #tpu.memory_space<vmem>> -> memref<128xi32, #tpu.memory_space<vmem>>
      %dma_start3A_115 = arith.constant 0 : i32
      %dma_start3A_116 = arith.constant 0 : i32
      %dma_start3A_117 = tpu.memref_slice %arg3[%dma_start3A_115, %dma_start3A_116] : memref<1000000x128xf32, #tpu.memory_space<hbm>> -> memref<1000000x128xf32, #tpu.memory_space<hbm>>
      tpu.enqueue_indirect_dma source(%dma_start3A_117 : memref<1000000x128xf32, #tpu.memory_space<hbm>>) target(%dma_start3A_112 : memref<128x128xf32, #tpu.memory_space<vmem>>) offsets(%dma_start3A_114 : memref<128xi32, #tpu.memory_space<vmem>>) semaphore(%arg15 : memref<!tpu.dma_semaphore, #tpu.memory_space<semaphore_mem>>)
      %dma_start3A_118 = arith.constant 128 : i32
      %dma_start3A_119 = arith.constant 0 : i32
      %dma_start3A_120 = tpu.memref_slice %arg10[%dma_start3A_118, %dma_start3A_119] : memref<200x128xf32, #tpu.memory_space<vmem>> -> memref<72x128xf32, #tpu.memory_space<vmem>>
      %dma_start3A_121 = arith.constant 128 : i32
      %dma_start3A_122 = tpu.memref_slice %arg8[%dma_start3A_121] : memref<200xi32, #tpu.memory_space<vmem>> -> memref<72xi32, #tpu.memory_space<vmem>>
      %dma_start3A_123 = arith.constant 0 : i32
      %dma_start3A_124 = arith.constant 0 : i32
      %dma_start3A_125 = tpu.memref_slice %arg3[%dma_start3A_123, %dma_start3A_124] : memref<1000000x128xf32, #tpu.memory_space<hbm>> -> memref<1000000x128xf32, #tpu.memory_space<hbm>>
      tpu.enqueue_indirect_dma source(%dma_start3A_125 : memref<1000000x128xf32, #tpu.memory_space<hbm>>) target(%dma_start3A_120 : memref<72x128xf32, #tpu.memory_space<vmem>>) offsets(%dma_start3A_122 : memref<72xi32, #tpu.memory_space<vmem>>) semaphore(%arg15 : memref<!tpu.dma_semaphore, #tpu.memory_space<semaphore_mem>>)
      %lt3A = arith.constant 31 : i32
      %lt3A_126 = arith.cmpi slt, %scan3A_77, %lt3A : i32
      %convert_element_type3A_127 = arith.extui %lt3A_126 : i1 to i32
      %cond3A_128 = arith.constant 0 : i32
      %cond3A_129 = arith.cmpi ne, %convert_element_type3A_127, %cond3A_128 : i32
      scf.if %cond3A_129 {
        %add3A_309 = arith.constant 4 : i32
        %add3A_310 = arith.addi %add3A_81, %add3A_309 : i32
        %mul3A_311 = arith.constant 200 : i32
        %mul3A_312 = arith.muli %add3A_310, %mul3A_311 : i32
        %add3A_313 = arith.addi %mul3A_4, %mul3A_312 : i32
        %multiple_of3A_314 = tpu.assume_multiple %add3A_313, 8 : i32
        %dma_start3A_315 = tpu.memref_slice %arg2[%multiple_of3A_314] : memref<819200xi32, #tpu.memory_space<hbm>> -> memref<200xi32, #tpu.memory_space<hbm>>
        %dma_start3A_316 = tpu.memref_slice %arg2[%multiple_of3A_314] : memref<819200xi32, #tpu.memory_space<hbm>> -> memref<200xi32, #tpu.memory_space<hbm>>
        tpu.enqueue_dma source(%dma_start3A_316 : memref<200xi32, #tpu.memory_space<hbm>>) target(%arg6 : memref<200xi32, #tpu.memory_space<vmem>>) target_semaphore(%arg17 : memref<!tpu.dma_semaphore, #tpu.memory_space<semaphore_mem>>)
      } else {
      }
      %mul3A_130 = arith.constant 200 : i32
      %mul3A_131 = arith.muli %add3A_81, %mul3A_130 : i32
      %add3A_132 = arith.addi %mul3A_4, %mul3A_131 : i32
      %multiple_of3A_133 = tpu.assume_multiple %add3A_132, 8 : i32
      %dma_start3A_134 = arith.constant 0 : i32
      %dma_start3A_135 = tpu.memref_slice %arg5[%multiple_of3A_133, %dma_start3A_134] : memref<819200x64xf32, #tpu.memory_space<hbm>> -> memref<200x64xf32, #tpu.memory_space<hbm>>
      %dma_start3A_136 = arith.constant 0 : i32
      %dma_start3A_137 = tpu.memref_slice %arg5[%multiple_of3A_133, %dma_start3A_136] : memref<819200x64xf32, #tpu.memory_space<hbm>> -> memref<200x64xf32, #tpu.memory_space<hbm>>
      tpu.enqueue_dma source(%arg12 : memref<200x64xf32, #tpu.memory_space<vmem>>) target(%dma_start3A_137 : memref<200x64xf32, #tpu.memory_space<hbm>>) target_semaphore(%arg21 : memref<!tpu.dma_semaphore, #tpu.memory_space<semaphore_mem>>)
      %mul3A_138 = arith.constant 4 : i32
      %mul3A_139 = arith.muli %scan3A_77, %mul3A_138 : i32
      %add3A_140 = arith.constant 1 : i32
      %add3A_141 = arith.addi %mul3A_139, %add3A_140 : i32
      %dma_wait3A_142 = arith.constant 0 : i32
      %dma_wait3A_143 = arith.constant 0 : i32
      %dma_wait3A_144 = tpu.memref_slice %arg11[%dma_wait3A_142, %dma_wait3A_143] : memref<200x128xf32, #tpu.memory_space<vmem>> -> memref<128x128xf32, #tpu.memory_space<vmem>>
      %dma_wait3A_145 = arith.constant 0 : i32
      %dma_wait3A_146 = tpu.memref_slice %arg7[%dma_wait3A_145] : memref<200xi32, #tpu.memory_space<vmem>> -> memref<128xi32, #tpu.memory_space<vmem>>
      %dma_wait3A_147 = arith.constant 0 : i32
      %dma_wait3A_148 = arith.constant 0 : i32
      %dma_wait3A_149 = tpu.memref_slice %arg3[%dma_wait3A_147, %dma_wait3A_148] : memref<1000000x128xf32, #tpu.memory_space<hbm>> -> memref<1000000x128xf32, #tpu.memory_space<hbm>>
      tpu.wait_indirect_dma semaphore(%arg16 : memref<!tpu.dma_semaphore, #tpu.memory_space<semaphore_mem>>) src(%dma_wait3A_149 : memref<1000000x128xf32, #tpu.memory_space<hbm>>) dst(%dma_wait3A_144 : memref<128x128xf32, #tpu.memory_space<vmem>>)
      %dma_wait3A_150 = arith.constant 128 : i32
      %dma_wait3A_151 = arith.constant 0 : i32
      %dma_wait3A_152 = tpu.memref_slice %arg11[%dma_wait3A_150, %dma_wait3A_151] : memref<200x128xf32, #tpu.memory_space<vmem>> -> memref<72x128xf32, #tpu.memory_space<vmem>>
      %dma_wait3A_153 = arith.constant 128 : i32
      %dma_wait3A_154 = tpu.memref_slice %arg7[%dma_wait3A_153] : memref<200xi32, #tpu.memory_space<vmem>> -> memref<72xi32, #tpu.memory_space<vmem>>
      %dma_wait3A_155 = arith.constant 0 : i32
      %dma_wait3A_156 = arith.constant 0 : i32
      %dma_wait3A_157 = tpu.memref_slice %arg3[%dma_wait3A_155, %dma_wait3A_156] : memref<1000000x128xf32, #tpu.memory_space<hbm>> -> memref<1000000x128xf32, #tpu.memory_space<hbm>>
      tpu.wait_indirect_dma semaphore(%arg16 : memref<!tpu.dma_semaphore, #tpu.memory_space<semaphore_mem>>) src(%dma_wait3A_157 : memref<1000000x128xf32, #tpu.memory_space<hbm>>) dst(%dma_wait3A_152 : memref<72x128xf32, #tpu.memory_space<vmem>>)
      %gt3A_158 = arith.constant 0 : i32
      %gt3A_159 = arith.cmpi sgt, %scan3A_77, %gt3A_158 : i32
      %convert_element_type3A_160 = arith.extui %gt3A_159 : i1 to i32
      %cond3A_161 = arith.constant 0 : i32
      %cond3A_162 = arith.cmpi ne, %convert_element_type3A_160, %cond3A_161 : i32
      scf.if %cond3A_162 {
        %sub3A_309 = arith.constant 2 : i32
        %sub3A_310 = arith.subi %add3A_141, %sub3A_309 : i32
        %mul3A_311 = arith.constant 200 : i32
        %mul3A_312 = arith.muli %sub3A_310, %mul3A_311 : i32
        %add3A_313 = arith.addi %mul3A_4, %mul3A_312 : i32
        %multiple_of3A_314 = tpu.assume_multiple %add3A_313, 8 : i32
        %dma_wait3A_315 = arith.constant 0 : i32
        %dma_wait3A_316 = tpu.memref_slice %arg5[%multiple_of3A_314, %dma_wait3A_315] : memref<819200x64xf32, #tpu.memory_space<hbm>> -> memref<200x64xf32, #tpu.memory_space<hbm>>
        %dma_wait3A_317 = arith.constant 0 : i32
        %dma_wait3A_318 = tpu.memref_slice %arg5[%multiple_of3A_314, %dma_wait3A_317] : memref<819200x64xf32, #tpu.memory_space<hbm>> -> memref<200x64xf32, #tpu.memory_space<hbm>>
        tpu.wait_dma2 semaphore(%arg22 : memref<!tpu.dma_semaphore, #tpu.memory_space<semaphore_mem>>) src(%arg13 : memref<200x64xf32, #tpu.memory_space<vmem>>) dst(%dma_wait3A_318 : memref<200x64xf32, #tpu.memory_space<hbm>>)
      } else {
      }
      %scan3A_163 = arith.constant 0 : i32
      %scan3A_164 = arith.constant 0 : i32
      %scan3A_165 = arith.constant 200 : i32
      %scan3A_166 = arith.addi %scan3A_164, %scan3A_165 : i32
      %scan3A_167 = arith.constant 1 : i32
      scf.for %scan3A_309 = %scan3A_164 to %scan3A_166 step %scan3A_167  : i32 {
        %get3A = arith.index_cast %scan3A_309 : i32 to index
        %get3A_310 = arith.constant 0 : index
        %get3A_311 = tpu.vector_load %arg11[%get3A, %get3A_310] {strides = array<i32>} : memref<200x128xf32, #tpu.memory_space<vmem>>, vector<1x16xf32>,
        %get3A_312 = vector.shape_cast %get3A_311 : vector<1x16xf32> to vector<16xf32>
        %get3A_313 = arith.index_cast %scan3A_309 : i32 to index
        %get3A_314 = arith.constant 0 : index
        %get3A_315 = tpu.vector_load %arg14[%get3A_313, %get3A_314] {strides = array<i32>} : memref<200x64xf32, #tpu.memory_space<vmem>>, vector<1x16xf32>,
        %get3A_316 = vector.shape_cast %get3A_315 : vector<1x16xf32> to vector<16xf32>
        %add3A_317 = arith.addf %get3A_312, %get3A_316 : vector<16xf32>
        %swap3A = arith.index_cast %scan3A_309 : i32 to index
        %swap3A_318 = arith.constant 0 : index
        %swap3A_319 = tpu.vector_load %arg13[%swap3A, %swap3A_318] {strides = array<i32>} : memref<200x64xf32, #tpu.memory_space<vmem>>, vector<1x16xf32>,
        %swap3A_320 = vector.shape_cast %swap3A_319 : vector<1x16xf32> to vector<16xf32>
        %swap3A_321 = vector.shape_cast %add3A_317 : vector<16xf32> to vector<1x16xf32>
        tpu.vector_store %arg13[%swap3A, %swap3A_318], %swap3A_321 {strides = array<i32>} : memref<200x64xf32, #tpu.memory_space<vmem>>, vector<1x16xf32>,
        %get3A_322 = arith.index_cast %scan3A_309 : i32 to index
        %get3A_323 = arith.constant 16 : index
        %get3A_324 = tpu.vector_load %arg11[%get3A_322, %get3A_323] {strides = array<i32>} : memref<200x128xf32, #tpu.memory_space<vmem>>, vector<1x16xf32>,
        %get3A_325 = vector.shape_cast %get3A_324 : vector<1x16xf32> to vector<16xf32>
        %get3A_326 = arith.index_cast %scan3A_309 : i32 to index
        %get3A_327 = arith.constant 16 : index
        %get3A_328 = tpu.vector_load %arg14[%get3A_326, %get3A_327] {strides = array<i32>} : memref<200x64xf32, #tpu.memory_space<vmem>>, vector<1x16xf32>,
        %get3A_329 = vector.shape_cast %get3A_328 : vector<1x16xf32> to vector<16xf32>
        %add3A_330 = arith.addf %get3A_325, %get3A_329 : vector<16xf32>
        %swap3A_331 = arith.index_cast %scan3A_309 : i32 to index
        %swap3A_332 = arith.constant 16 : index
        %swap3A_333 = tpu.vector_load %arg13[%swap3A_331, %swap3A_332] {strides = array<i32>} : memref<200x64xf32, #tpu.memory_space<vmem>>, vector<1x16xf32>,
        %swap3A_334 = vector.shape_cast %swap3A_333 : vector<1x16xf32> to vector<16xf32>
        %swap3A_335 = vector.shape_cast %add3A_330 : vector<16xf32> to vector<1x16xf32>
        tpu.vector_store %arg13[%swap3A_331, %swap3A_332], %swap3A_335 {strides = array<i32>} : memref<200x64xf32, #tpu.memory_space<vmem>>, vector<1x16xf32>,
        %get3A_336 = arith.index_cast %scan3A_309 : i32 to index
        %get3A_337 = arith.constant 32 : index
        %get3A_338 = tpu.vector_load %arg11[%get3A_336, %get3A_337] {strides = array<i32>} : memref<200x128xf32, #tpu.memory_space<vmem>>, vector<1x16xf32>,
        %get3A_339 = vector.shape_cast %get3A_338 : vector<1x16xf32> to vector<16xf32>
        %get3A_340 = arith.index_cast %scan3A_309 : i32 to index
        %get3A_341 = arith.constant 32 : index
        %get3A_342 = tpu.vector_load %arg14[%get3A_340, %get3A_341] {strides = array<i32>} : memref<200x64xf32, #tpu.memory_space<vmem>>, vector<1x16xf32>,
        %get3A_343 = vector.shape_cast %get3A_342 : vector<1x16xf32> to vector<16xf32>
        %add3A_344 = arith.addf %get3A_339, %get3A_343 : vector<16xf32>
        %swap3A_345 = arith.index_cast %scan3A_309 : i32 to index
        %swap3A_346 = arith.constant 32 : index
        %swap3A_347 = tpu.vector_load %arg13[%swap3A_345, %swap3A_346] {strides = array<i32>} : memref<200x64xf32, #tpu.memory_space<vmem>>, vector<1x16xf32>,
        %swap3A_348 = vector.shape_cast %swap3A_347 : vector<1x16xf32> to vector<16xf32>
        %swap3A_349 = vector.shape_cast %add3A_344 : vector<16xf32> to vector<1x16xf32>
        tpu.vector_store %arg13[%swap3A_345, %swap3A_346], %swap3A_349 {strides = array<i32>} : memref<200x64xf32, #tpu.memory_space<vmem>>, vector<1x16xf32>,
        %get3A_350 = arith.index_cast %scan3A_309 : i32 to index
        %get3A_351 = arith.constant 48 : index
        %get3A_352 = tpu.vector_load %arg11[%get3A_350, %get3A_351] {strides = array<i32>} : memref<200x128xf32, #tpu.memory_space<vmem>>, vector<1x16xf32>,
        %get3A_353 = vector.shape_cast %get3A_352 : vector<1x16xf32> to vector<16xf32>
        %get3A_354 = arith.index_cast %scan3A_309 : i32 to index
        %get3A_355 = arith.constant 48 : index
        %get3A_356 = tpu.vector_load %arg14[%get3A_354, %get3A_355] {strides = array<i32>} : memref<200x64xf32, #tpu.memory_space<vmem>>, vector<1x16xf32>,
        %get3A_357 = vector.shape_cast %get3A_356 : vector<1x16xf32> to vector<16xf32>
        %add3A_358 = arith.addf %get3A_353, %get3A_357 : vector<16xf32>
        %swap3A_359 = arith.index_cast %scan3A_309 : i32 to index
        %swap3A_360 = arith.constant 48 : index
        %swap3A_361 = tpu.vector_load %arg13[%swap3A_359, %swap3A_360] {strides = array<i32>} : memref<200x64xf32, #tpu.memory_space<vmem>>, vector<1x16xf32>,
        %swap3A_362 = vector.shape_cast %swap3A_361 : vector<1x16xf32> to vector<16xf32>
        %swap3A_363 = vector.shape_cast %add3A_358 : vector<16xf32> to vector<1x16xf32>
        tpu.vector_store %arg13[%swap3A_359, %swap3A_360], %swap3A_363 {strides = array<i32>} : memref<200x64xf32, #tpu.memory_space<vmem>>, vector<1x16xf32>,
      }
      %scan3A_168 = arith.constant 200 : i32
      %dma_wait3A_169 = arith.constant 0 : i32
      %dma_wait3A_170 = tpu.memref_slice %arg2[%dma_wait3A_169] : memref<819200xi32, #tpu.memory_space<hbm>> -> memref<200xi32, #tpu.memory_space<hbm>>
      %dma_wait3A_171 = arith.constant 0 : i32
      %dma_wait3A_172 = tpu.memref_slice %arg2[%dma_wait3A_171] : memref<819200xi32, #tpu.memory_space<hbm>> -> memref<200xi32, #tpu.memory_space<hbm>>
      tpu.wait_dma2 semaphore(%arg20 : memref<!tpu.dma_semaphore, #tpu.memory_space<semaphore_mem>>) src(%dma_wait3A_172 : memref<200xi32, #tpu.memory_space<hbm>>) dst(%arg9 : memref<200xi32, #tpu.memory_space<vmem>>)
      %dma_start3A_173 = arith.constant 0 : i32
      %dma_start3A_174 = arith.constant 0 : i32
      %dma_start3A_175 = tpu.memref_slice %arg11[%dma_start3A_173, %dma_start3A_174] : memref<200x128xf32, #tpu.memory_space<vmem>> -> memref<128x128xf32, #tpu.memory_space<vmem>>
      %dma_start3A_176 = arith.constant 0 : i32
      %dma_start3A_177 = tpu.memref_slice %arg9[%dma_start3A_176] : memref<200xi32, #tpu.memory_space<vmem>> -> memref<128xi32, #tpu.memory_space<vmem>>
      %dma_start3A_178 = arith.constant 0 : i32
      %dma_start3A_179 = arith.constant 0 : i32
      %dma_start3A_180 = tpu.memref_slice %arg3[%dma_start3A_178, %dma_start3A_179] : memref<1000000x128xf32, #tpu.memory_space<hbm>> -> memref<1000000x128xf32, #tpu.memory_space<hbm>>
      tpu.enqueue_indirect_dma source(%dma_start3A_180 : memref<1000000x128xf32, #tpu.memory_space<hbm>>) target(%dma_start3A_175 : memref<128x128xf32, #tpu.memory_space<vmem>>) offsets(%dma_start3A_177 : memref<128xi32, #tpu.memory_space<vmem>>) semaphore(%arg16 : memref<!tpu.dma_semaphore, #tpu.memory_space<semaphore_mem>>)
      %dma_start3A_181 = arith.constant 128 : i32
      %dma_start3A_182 = arith.constant 0 : i32
      %dma_start3A_183 = tpu.memref_slice %arg11[%dma_start3A_181, %dma_start3A_182] : memref<200x128xf32, #tpu.memory_space<vmem>> -> memref<72x128xf32, #tpu.memory_space<vmem>>
      %dma_start3A_184 = arith.constant 128 : i32
      %dma_start3A_185 = tpu.memref_slice %arg9[%dma_start3A_184] : memref<200xi32, #tpu.memory_space<vmem>> -> memref<72xi32, #tpu.memory_space<vmem>>
      %dma_start3A_186 = arith.constant 0 : i32
      %dma_start3A_187 = arith.constant 0 : i32
      %dma_start3A_188 = tpu.memref_slice %arg3[%dma_start3A_186, %dma_start3A_187] : memref<1000000x128xf32, #tpu.memory_space<hbm>> -> memref<1000000x128xf32, #tpu.memory_space<hbm>>
      tpu.enqueue_indirect_dma source(%dma_start3A_188 : memref<1000000x128xf32, #tpu.memory_space<hbm>>) target(%dma_start3A_183 : memref<72x128xf32, #tpu.memory_space<vmem>>) offsets(%dma_start3A_185 : memref<72xi32, #tpu.memory_space<vmem>>) semaphore(%arg16 : memref<!tpu.dma_semaphore, #tpu.memory_space<semaphore_mem>>)
      %lt3A_189 = arith.constant 31 : i32
      %lt3A_190 = arith.cmpi slt, %scan3A_77, %lt3A_189 : i32
      %convert_element_type3A_191 = arith.extui %lt3A_190 : i1 to i32
      %cond3A_192 = arith.constant 0 : i32
      %cond3A_193 = arith.cmpi ne, %convert_element_type3A_191, %cond3A_192 : i32
      scf.if %cond3A_193 {
        %add3A_309 = arith.constant 4 : i32
        %add3A_310 = arith.addi %add3A_141, %add3A_309 : i32
        %mul3A_311 = arith.constant 200 : i32
        %mul3A_312 = arith.muli %add3A_310, %mul3A_311 : i32
        %add3A_313 = arith.addi %mul3A_4, %mul3A_312 : i32
        %multiple_of3A_314 = tpu.assume_multiple %add3A_313, 8 : i32
        %dma_start3A_315 = tpu.memref_slice %arg2[%multiple_of3A_314] : memref<819200xi32, #tpu.memory_space<hbm>> -> memref<200xi32, #tpu.memory_space<hbm>>
        %dma_start3A_316 = tpu.memref_slice %arg2[%multiple_of3A_314] : memref<819200xi32, #tpu.memory_space<hbm>> -> memref<200xi32, #tpu.memory_space<hbm>>
        tpu.enqueue_dma source(%dma_start3A_316 : memref<200xi32, #tpu.memory_space<hbm>>) target(%arg7 : memref<200xi32, #tpu.memory_space<vmem>>) target_semaphore(%arg18 : memref<!tpu.dma_semaphore, #tpu.memory_space<semaphore_mem>>)
      } else {
      }
      %mul3A_194 = arith.constant 200 : i32
      %mul3A_195 = arith.muli %add3A_141, %mul3A_194 : i32
      %add3A_196 = arith.addi %mul3A_4, %mul3A_195 : i32
      %multiple_of3A_197 = tpu.assume_multiple %add3A_196, 8 : i32
      %dma_start3A_198 = arith.constant 0 : i32
      %dma_start3A_199 = tpu.memref_slice %arg5[%multiple_of3A_197, %dma_start3A_198] : memref<819200x64xf32, #tpu.memory_space<hbm>> -> memref<200x64xf32, #tpu.memory_space<hbm>>
      %dma_start3A_200 = arith.constant 0 : i32
      %dma_start3A_201 = tpu.memref_slice %arg5[%multiple_of3A_197, %dma_start3A_200] : memref<819200x64xf32, #tpu.memory_space<hbm>> -> memref<200x64xf32, #tpu.memory_space<hbm>>
      tpu.enqueue_dma source(%arg13 : memref<200x64xf32, #tpu.memory_space<vmem>>) target(%dma_start3A_201 : memref<200x64xf32, #tpu.memory_space<hbm>>) target_semaphore(%arg22 : memref<!tpu.dma_semaphore, #tpu.memory_space<semaphore_mem>>)
      %mul3A_202 = arith.constant 4 : i32
      %mul3A_203 = arith.muli %scan3A_77, %mul3A_202 : i32
      %add3A_204 = arith.constant 2 : i32
      %add3A_205 = arith.addi %mul3A_203, %add3A_204 : i32
      %dma_wait3A_206 = arith.constant 0 : i32
      %dma_wait3A_207 = arith.constant 0 : i32
      %dma_wait3A_208 = tpu.memref_slice %arg10[%dma_wait3A_206, %dma_wait3A_207] : memref<200x128xf32, #tpu.memory_space<vmem>> -> memref<128x128xf32, #tpu.memory_space<vmem>>
      %dma_wait3A_209 = arith.constant 0 : i32
      %dma_wait3A_210 = tpu.memref_slice %arg8[%dma_wait3A_209] : memref<200xi32, #tpu.memory_space<vmem>> -> memref<128xi32, #tpu.memory_space<vmem>>
      %dma_wait3A_211 = arith.constant 0 : i32
      %dma_wait3A_212 = arith.constant 0 : i32
      %dma_wait3A_213 = tpu.memref_slice %arg3[%dma_wait3A_211, %dma_wait3A_212] : memref<1000000x128xf32, #tpu.memory_space<hbm>> -> memref<1000000x128xf32, #tpu.memory_space<hbm>>
      tpu.wait_indirect_dma semaphore(%arg15 : memref<!tpu.dma_semaphore, #tpu.memory_space<semaphore_mem>>) src(%dma_wait3A_213 : memref<1000000x128xf32, #tpu.memory_space<hbm>>) dst(%dma_wait3A_208 : memref<128x128xf32, #tpu.memory_space<vmem>>)
      %dma_wait3A_214 = arith.constant 128 : i32
      %dma_wait3A_215 = arith.constant 0 : i32
      %dma_wait3A_216 = tpu.memref_slice %arg10[%dma_wait3A_214, %dma_wait3A_215] : memref<200x128xf32, #tpu.memory_space<vmem>> -> memref<72x128xf32, #tpu.memory_space<vmem>>
      %dma_wait3A_217 = arith.constant 128 : i32
      %dma_wait3A_218 = tpu.memref_slice %arg8[%dma_wait3A_217] : memref<200xi32, #tpu.memory_space<vmem>> -> memref<72xi32, #tpu.memory_space<vmem>>
      %dma_wait3A_219 = arith.constant 0 : i32
      %dma_wait3A_220 = arith.constant 0 : i32
      %dma_wait3A_221 = tpu.memref_slice %arg3[%dma_wait3A_219, %dma_wait3A_220] : memref<1000000x128xf32, #tpu.memory_space<hbm>> -> memref<1000000x128xf32, #tpu.memory_space<hbm>>
      tpu.wait_indirect_dma semaphore(%arg15 : memref<!tpu.dma_semaphore, #tpu.memory_space<semaphore_mem>>) src(%dma_wait3A_221 : memref<1000000x128xf32, #tpu.memory_space<hbm>>) dst(%dma_wait3A_216 : memref<72x128xf32, #tpu.memory_space<vmem>>)
      %sub3A = arith.constant 2 : i32
      %sub3A_222 = arith.subi %add3A_205, %sub3A : i32
      %mul3A_223 = arith.constant 200 : i32
      %mul3A_224 = arith.muli %sub3A_222, %mul3A_223 : i32
      %add3A_225 = arith.addi %mul3A_4, %mul3A_224 : i32
      %multiple_of3A_226 = tpu.assume_multiple %add3A_225, 8 : i32
      %dma_wait3A_227 = arith.constant 0 : i32
      %dma_wait3A_228 = tpu.memref_slice %arg5[%multiple_of3A_226, %dma_wait3A_227] : memref<819200x64xf32, #tpu.memory_space<hbm>> -> memref<200x64xf32, #tpu.memory_space<hbm>>
      %dma_wait3A_229 = arith.constant 0 : i32
      %dma_wait3A_230 = tpu.memref_slice %arg5[%multiple_of3A_226, %dma_wait3A_229] : memref<819200x64xf32, #tpu.memory_space<hbm>> -> memref<200x64xf32, #tpu.memory_space<hbm>>
      tpu.wait_dma2 semaphore(%arg21 : memref<!tpu.dma_semaphore, #tpu.memory_space<semaphore_mem>>) src(%arg12 : memref<200x64xf32, #tpu.memory_space<vmem>>) dst(%dma_wait3A_230 : memref<200x64xf32, #tpu.memory_space<hbm>>)
      %scan3A_231 = arith.constant 0 : i32
      %scan3A_232 = arith.constant 0 : i32
      %scan3A_233 = arith.constant 200 : i32
      %scan3A_234 = arith.addi %scan3A_232, %scan3A_233 : i32
      %scan3A_235 = arith.constant 1 : i32
      scf.for %scan3A_309 = %scan3A_232 to %scan3A_234 step %scan3A_235  : i32 {
        %get3A = arith.index_cast %scan3A_309 : i32 to index
        %get3A_310 = arith.constant 0 : index
        %get3A_311 = tpu.vector_load %arg10[%get3A, %get3A_310] {strides = array<i32>} : memref<200x128xf32, #tpu.memory_space<vmem>>, vector<1x16xf32>,
        %get3A_312 = vector.shape_cast %get3A_311 : vector<1x16xf32> to vector<16xf32>
        %get3A_313 = arith.index_cast %scan3A_309 : i32 to index
        %get3A_314 = arith.constant 0 : index
        %get3A_315 = tpu.vector_load %arg14[%get3A_313, %get3A_314] {strides = array<i32>} : memref<200x64xf32, #tpu.memory_space<vmem>>, vector<1x16xf32>,
        %get3A_316 = vector.shape_cast %get3A_315 : vector<1x16xf32> to vector<16xf32>
        %add3A_317 = arith.addf %get3A_312, %get3A_316 : vector<16xf32>
        %swap3A = arith.index_cast %scan3A_309 : i32 to index
        %swap3A_318 = arith.constant 0 : index
        %swap3A_319 = tpu.vector_load %arg12[%swap3A, %swap3A_318] {strides = array<i32>} : memref<200x64xf32, #tpu.memory_space<vmem>>, vector<1x16xf32>,
        %swap3A_320 = vector.shape_cast %swap3A_319 : vector<1x16xf32> to vector<16xf32>
        %swap3A_321 = vector.shape_cast %add3A_317 : vector<16xf32> to vector<1x16xf32>
        tpu.vector_store %arg12[%swap3A, %swap3A_318], %swap3A_321 {strides = array<i32>} : memref<200x64xf32, #tpu.memory_space<vmem>>, vector<1x16xf32>,
        %get3A_322 = arith.index_cast %scan3A_309 : i32 to index
        %get3A_323 = arith.constant 16 : index
        %get3A_324 = tpu.vector_load %arg10[%get3A_322, %get3A_323] {strides = array<i32>} : memref<200x128xf32, #tpu.memory_space<vmem>>, vector<1x16xf32>,
        %get3A_325 = vector.shape_cast %get3A_324 : vector<1x16xf32> to vector<16xf32>
        %get3A_326 = arith.index_cast %scan3A_309 : i32 to index
        %get3A_327 = arith.constant 16 : index
        %get3A_328 = tpu.vector_load %arg14[%get3A_326, %get3A_327] {strides = array<i32>} : memref<200x64xf32, #tpu.memory_space<vmem>>, vector<1x16xf32>,
        %get3A_329 = vector.shape_cast %get3A_328 : vector<1x16xf32> to vector<16xf32>
        %add3A_330 = arith.addf %get3A_325, %get3A_329 : vector<16xf32>
        %swap3A_331 = arith.index_cast %scan3A_309 : i32 to index
        %swap3A_332 = arith.constant 16 : index
        %swap3A_333 = tpu.vector_load %arg12[%swap3A_331, %swap3A_332] {strides = array<i32>} : memref<200x64xf32, #tpu.memory_space<vmem>>, vector<1x16xf32>,
        %swap3A_334 = vector.shape_cast %swap3A_333 : vector<1x16xf32> to vector<16xf32>
        %swap3A_335 = vector.shape_cast %add3A_330 : vector<16xf32> to vector<1x16xf32>
        tpu.vector_store %arg12[%swap3A_331, %swap3A_332], %swap3A_335 {strides = array<i32>} : memref<200x64xf32, #tpu.memory_space<vmem>>, vector<1x16xf32>,
        %get3A_336 = arith.index_cast %scan3A_309 : i32 to index
        %get3A_337 = arith.constant 32 : index
        %get3A_338 = tpu.vector_load %arg10[%get3A_336, %get3A_337] {strides = array<i32>} : memref<200x128xf32, #tpu.memory_space<vmem>>, vector<1x16xf32>,
        %get3A_339 = vector.shape_cast %get3A_338 : vector<1x16xf32> to vector<16xf32>
        %get3A_340 = arith.index_cast %scan3A_309 : i32 to index
        %get3A_341 = arith.constant 32 : index
        %get3A_342 = tpu.vector_load %arg14[%get3A_340, %get3A_341] {strides = array<i32>} : memref<200x64xf32, #tpu.memory_space<vmem>>, vector<1x16xf32>,
        %get3A_343 = vector.shape_cast %get3A_342 : vector<1x16xf32> to vector<16xf32>
        %add3A_344 = arith.addf %get3A_339, %get3A_343 : vector<16xf32>
        %swap3A_345 = arith.index_cast %scan3A_309 : i32 to index
        %swap3A_346 = arith.constant 32 : index
        %swap3A_347 = tpu.vector_load %arg12[%swap3A_345, %swap3A_346] {strides = array<i32>} : memref<200x64xf32, #tpu.memory_space<vmem>>, vector<1x16xf32>,
        %swap3A_348 = vector.shape_cast %swap3A_347 : vector<1x16xf32> to vector<16xf32>
        %swap3A_349 = vector.shape_cast %add3A_344 : vector<16xf32> to vector<1x16xf32>
        tpu.vector_store %arg12[%swap3A_345, %swap3A_346], %swap3A_349 {strides = array<i32>} : memref<200x64xf32, #tpu.memory_space<vmem>>, vector<1x16xf32>,
        %get3A_350 = arith.index_cast %scan3A_309 : i32 to index
        %get3A_351 = arith.constant 48 : index
        %get3A_352 = tpu.vector_load %arg10[%get3A_350, %get3A_351] {strides = array<i32>} : memref<200x128xf32, #tpu.memory_space<vmem>>, vector<1x16xf32>,
        %get3A_353 = vector.shape_cast %get3A_352 : vector<1x16xf32> to vector<16xf32>
        %get3A_354 = arith.index_cast %scan3A_309 : i32 to index
        %get3A_355 = arith.constant 48 : index
        %get3A_356 = tpu.vector_load %arg14[%get3A_354, %get3A_355] {strides = array<i32>} : memref<200x64xf32, #tpu.memory_space<vmem>>, vector<1x16xf32>,
        %get3A_357 = vector.shape_cast %get3A_356 : vector<1x16xf32> to vector<16xf32>
        %add3A_358 = arith.addf %get3A_353, %get3A_357 : vector<16xf32>
        %swap3A_359 = arith.index_cast %scan3A_309 : i32 to index
        %swap3A_360 = arith.constant 48 : index
        %swap3A_361 = tpu.vector_load %arg12[%swap3A_359, %swap3A_360] {strides = array<i32>} : memref<200x64xf32, #tpu.memory_space<vmem>>, vector<1x16xf32>,
        %swap3A_362 = vector.shape_cast %swap3A_361 : vector<1x16xf32> to vector<16xf32>
        %swap3A_363 = vector.shape_cast %add3A_358 : vector<16xf32> to vector<1x16xf32>
        tpu.vector_store %arg12[%swap3A_359, %swap3A_360], %swap3A_363 {strides = array<i32>} : memref<200x64xf32, #tpu.memory_space<vmem>>, vector<1x16xf32>,
      }
      %scan3A_236 = arith.constant 200 : i32
      %lt3A_237 = arith.constant 31 : i32
      %lt3A_238 = arith.cmpi slt, %scan3A_77, %lt3A_237 : i32
      %convert_element_type3A_239 = arith.extui %lt3A_238 : i1 to i32
      %cond3A_240 = arith.constant 0 : i32
      %cond3A_241 = arith.cmpi ne, %convert_element_type3A_239, %cond3A_240 : i32
      scf.if %cond3A_241 {
        %dma_wait3A_309 = arith.constant 0 : i32
        %dma_wait3A_310 = tpu.memref_slice %arg2[%dma_wait3A_309] : memref<819200xi32, #tpu.memory_space<hbm>> -> memref<200xi32, #tpu.memory_space<hbm>>
        %dma_wait3A_311 = arith.constant 0 : i32
        %dma_wait3A_312 = tpu.memref_slice %arg2[%dma_wait3A_311] : memref<819200xi32, #tpu.memory_space<hbm>> -> memref<200xi32, #tpu.memory_space<hbm>>
        tpu.wait_dma2 semaphore(%arg17 : memref<!tpu.dma_semaphore, #tpu.memory_space<semaphore_mem>>) src(%dma_wait3A_312 : memref<200xi32, #tpu.memory_space<hbm>>) dst(%arg6 : memref<200xi32, #tpu.memory_space<vmem>>)
        %dma_start3A_313 = arith.constant 0 : i32
        %dma_start3A_314 = arith.constant 0 : i32
        %dma_start3A_315 = tpu.memref_slice %arg10[%dma_start3A_313, %dma_start3A_314] : memref<200x128xf32, #tpu.memory_space<vmem>> -> memref<128x128xf32, #tpu.memory_space<vmem>>
        %dma_start3A_316 = arith.constant 0 : i32
        %dma_start3A_317 = tpu.memref_slice %arg6[%dma_start3A_316] : memref<200xi32, #tpu.memory_space<vmem>> -> memref<128xi32, #tpu.memory_space<vmem>>
        %dma_start3A_318 = arith.constant 0 : i32
        %dma_start3A_319 = arith.constant 0 : i32
        %dma_start3A_320 = tpu.memref_slice %arg3[%dma_start3A_318, %dma_start3A_319] : memref<1000000x128xf32, #tpu.memory_space<hbm>> -> memref<1000000x128xf32, #tpu.memory_space<hbm>>
        tpu.enqueue_indirect_dma source(%dma_start3A_320 : memref<1000000x128xf32, #tpu.memory_space<hbm>>) target(%dma_start3A_315 : memref<128x128xf32, #tpu.memory_space<vmem>>) offsets(%dma_start3A_317 : memref<128xi32, #tpu.memory_space<vmem>>) semaphore(%arg15 : memref<!tpu.dma_semaphore, #tpu.memory_space<semaphore_mem>>)
        %dma_start3A_321 = arith.constant 128 : i32
        %dma_start3A_322 = arith.constant 0 : i32
        %dma_start3A_323 = tpu.memref_slice %arg10[%dma_start3A_321, %dma_start3A_322] : memref<200x128xf32, #tpu.memory_space<vmem>> -> memref<72x128xf32, #tpu.memory_space<vmem>>
        %dma_start3A_324 = arith.constant 128 : i32
        %dma_start3A_325 = tpu.memref_slice %arg6[%dma_start3A_324] : memref<200xi32, #tpu.memory_space<vmem>> -> memref<72xi32, #tpu.memory_space<vmem>>
        %dma_start3A_326 = arith.constant 0 : i32
        %dma_start3A_327 = arith.constant 0 : i32
        %dma_start3A_328 = tpu.memref_slice %arg3[%dma_start3A_326, %dma_start3A_327] : memref<1000000x128xf32, #tpu.memory_space<hbm>> -> memref<1000000x128xf32, #tpu.memory_space<hbm>>
        tpu.enqueue_indirect_dma source(%dma_start3A_328 : memref<1000000x128xf32, #tpu.memory_space<hbm>>) target(%dma_start3A_323 : memref<72x128xf32, #tpu.memory_space<vmem>>) offsets(%dma_start3A_325 : memref<72xi32, #tpu.memory_space<vmem>>) semaphore(%arg15 : memref<!tpu.dma_semaphore, #tpu.memory_space<semaphore_mem>>)
      } else {
      }
      %lt3A_242 = arith.constant 31 : i32
      %lt3A_243 = arith.cmpi slt, %scan3A_77, %lt3A_242 : i32
      %convert_element_type3A_244 = arith.extui %lt3A_243 : i1 to i32
      %cond3A_245 = arith.constant 0 : i32
      %cond3A_246 = arith.cmpi ne, %convert_element_type3A_244, %cond3A_245 : i32
      scf.if %cond3A_246 {
        %add3A_309 = arith.constant 4 : i32
        %add3A_310 = arith.addi %add3A_205, %add3A_309 : i32
        %mul3A_311 = arith.constant 200 : i32
        %mul3A_312 = arith.muli %add3A_310, %mul3A_311 : i32
        %add3A_313 = arith.addi %mul3A_4, %mul3A_312 : i32
        %multiple_of3A_314 = tpu.assume_multiple %add3A_313, 8 : i32
        %dma_start3A_315 = tpu.memref_slice %arg2[%multiple_of3A_314] : memref<819200xi32, #tpu.memory_space<hbm>> -> memref<200xi32, #tpu.memory_space<hbm>>
        %dma_start3A_316 = tpu.memref_slice %arg2[%multiple_of3A_314] : memref<819200xi32, #tpu.memory_space<hbm>> -> memref<200xi32, #tpu.memory_space<hbm>>
        tpu.enqueue_dma source(%dma_start3A_316 : memref<200xi32, #tpu.memory_space<hbm>>) target(%arg8 : memref<200xi32, #tpu.memory_space<vmem>>) target_semaphore(%arg19 : memref<!tpu.dma_semaphore, #tpu.memory_space<semaphore_mem>>)
      } else {
      }
      %mul3A_247 = arith.constant 200 : i32
      %mul3A_248 = arith.muli %add3A_205, %mul3A_247 : i32
      %add3A_249 = arith.addi %mul3A_4, %mul3A_248 : i32
      %multiple_of3A_250 = tpu.assume_multiple %add3A_249, 8 : i32
      %dma_start3A_251 = arith.constant 0 : i32
      %dma_start3A_252 = tpu.memref_slice %arg5[%multiple_of3A_250, %dma_start3A_251] : memref<819200x64xf32, #tpu.memory_space<hbm>> -> memref<200x64xf32, #tpu.memory_space<hbm>>
      %dma_start3A_253 = arith.constant 0 : i32
      %dma_start3A_254 = tpu.memref_slice %arg5[%multiple_of3A_250, %dma_start3A_253] : memref<819200x64xf32, #tpu.memory_space<hbm>> -> memref<200x64xf32, #tpu.memory_space<hbm>>
      tpu.enqueue_dma source(%arg12 : memref<200x64xf32, #tpu.memory_space<vmem>>) target(%dma_start3A_254 : memref<200x64xf32, #tpu.memory_space<hbm>>) target_semaphore(%arg21 : memref<!tpu.dma_semaphore, #tpu.memory_space<semaphore_mem>>)
      %mul3A_255 = arith.constant 4 : i32
      %mul3A_256 = arith.muli %scan3A_77, %mul3A_255 : i32
      %add3A_257 = arith.constant 3 : i32
      %add3A_258 = arith.addi %mul3A_256, %add3A_257 : i32
      %dma_wait3A_259 = arith.constant 0 : i32
      %dma_wait3A_260 = arith.constant 0 : i32
      %dma_wait3A_261 = tpu.memref_slice %arg11[%dma_wait3A_259, %dma_wait3A_260] : memref<200x128xf32, #tpu.memory_space<vmem>> -> memref<128x128xf32, #tpu.memory_space<vmem>>
      %dma_wait3A_262 = arith.constant 0 : i32
      %dma_wait3A_263 = tpu.memref_slice %arg9[%dma_wait3A_262] : memref<200xi32, #tpu.memory_space<vmem>> -> memref<128xi32, #tpu.memory_space<vmem>>
      %dma_wait3A_264 = arith.constant 0 : i32
      %dma_wait3A_265 = arith.constant 0 : i32
      %dma_wait3A_266 = tpu.memref_slice %arg3[%dma_wait3A_264, %dma_wait3A_265] : memref<1000000x128xf32, #tpu.memory_space<hbm>> -> memref<1000000x128xf32, #tpu.memory_space<hbm>>
      tpu.wait_indirect_dma semaphore(%arg16 : memref<!tpu.dma_semaphore, #tpu.memory_space<semaphore_mem>>) src(%dma_wait3A_266 : memref<1000000x128xf32, #tpu.memory_space<hbm>>) dst(%dma_wait3A_261 : memref<128x128xf32, #tpu.memory_space<vmem>>)
      %dma_wait3A_267 = arith.constant 128 : i32
      %dma_wait3A_268 = arith.constant 0 : i32
      %dma_wait3A_269 = tpu.memref_slice %arg11[%dma_wait3A_267, %dma_wait3A_268] : memref<200x128xf32, #tpu.memory_space<vmem>> -> memref<72x128xf32, #tpu.memory_space<vmem>>
      %dma_wait3A_270 = arith.constant 128 : i32
      %dma_wait3A_271 = tpu.memref_slice %arg9[%dma_wait3A_270] : memref<200xi32, #tpu.memory_space<vmem>> -> memref<72xi32, #tpu.memory_space<vmem>>
      %dma_wait3A_272 = arith.constant 0 : i32
      %dma_wait3A_273 = arith.constant 0 : i32
      %dma_wait3A_274 = tpu.memref_slice %arg3[%dma_wait3A_272, %dma_wait3A_273] : memref<1000000x128xf32, #tpu.memory_space<hbm>> -> memref<1000000x128xf32, #tpu.memory_space<hbm>>
      tpu.wait_indirect_dma semaphore(%arg16 : memref<!tpu.dma_semaphore, #tpu.memory_space<semaphore_mem>>) src(%dma_wait3A_274 : memref<1000000x128xf32, #tpu.memory_space<hbm>>) dst(%dma_wait3A_269 : memref<72x128xf32, #tpu.memory_space<vmem>>)
      %sub3A_275 = arith.constant 2 : i32
      %sub3A_276 = arith.subi %add3A_258, %sub3A_275 : i32
      %mul3A_277 = arith.constant 200 : i32
      %mul3A_278 = arith.muli %sub3A_276, %mul3A_277 : i32
      %add3A_279 = arith.addi %mul3A_4, %mul3A_278 : i32
      %multiple_of3A_280 = tpu.assume_multiple %add3A_279, 8 : i32
      %dma_wait3A_281 = arith.constant 0 : i32
      %dma_wait3A_282 = tpu.memref_slice %arg5[%multiple_of3A_280, %dma_wait3A_281] : memref<819200x64xf32, #tpu.memory_space<hbm>> -> memref<200x64xf32, #tpu.memory_space<hbm>>
      %dma_wait3A_283 = arith.constant 0 : i32
      %dma_wait3A_284 = tpu.memref_slice %arg5[%multiple_of3A_280, %dma_wait3A_283] : memref<819200x64xf32, #tpu.memory_space<hbm>> -> memref<200x64xf32, #tpu.memory_space<hbm>>
      tpu.wait_dma2 semaphore(%arg22 : memref<!tpu.dma_semaphore, #tpu.memory_space<semaphore_mem>>) src(%arg13 : memref<200x64xf32, #tpu.memory_space<vmem>>) dst(%dma_wait3A_284 : memref<200x64xf32, #tpu.memory_space<hbm>>)
      %scan3A_285 = arith.constant 0 : i32
      %scan3A_286 = arith.constant 0 : i32
      %scan3A_287 = arith.constant 200 : i32
      %scan3A_288 = arith.addi %scan3A_286, %scan3A_287 : i32
      %scan3A_289 = arith.constant 1 : i32
      scf.for %scan3A_309 = %scan3A_286 to %scan3A_288 step %scan3A_289  : i32 {
        %get3A = arith.index_cast %scan3A_309 : i32 to index
        %get3A_310 = arith.constant 0 : index
        %get3A_311 = tpu.vector_load %arg11[%get3A, %get3A_310] {strides = array<i32>} : memref<200x128xf32, #tpu.memory_space<vmem>>, vector<1x16xf32>,
        %get3A_312 = vector.shape_cast %get3A_311 : vector<1x16xf32> to vector<16xf32>
        %get3A_313 = arith.index_cast %scan3A_309 : i32 to index
        %get3A_314 = arith.constant 0 : index
        %get3A_315 = tpu.vector_load %arg14[%get3A_313, %get3A_314] {strides = array<i32>} : memref<200x64xf32, #tpu.memory_space<vmem>>, vector<1x16xf32>,
        %get3A_316 = vector.shape_cast %get3A_315 : vector<1x16xf32> to vector<16xf32>
        %add3A_317 = arith.addf %get3A_312, %get3A_316 : vector<16xf32>
        %swap3A = arith.index_cast %scan3A_309 : i32 to index
        %swap3A_318 = arith.constant 0 : index
        %swap3A_319 = tpu.vector_load %arg13[%swap3A, %swap3A_318] {strides = array<i32>} : memref<200x64xf32, #tpu.memory_space<vmem>>, vector<1x16xf32>,
        %swap3A_320 = vector.shape_cast %swap3A_319 : vector<1x16xf32> to vector<16xf32>
        %swap3A_321 = vector.shape_cast %add3A_317 : vector<16xf32> to vector<1x16xf32>
        tpu.vector_store %arg13[%swap3A, %swap3A_318], %swap3A_321 {strides = array<i32>} : memref<200x64xf32, #tpu.memory_space<vmem>>, vector<1x16xf32>,
        %get3A_322 = arith.index_cast %scan3A_309 : i32 to index
        %get3A_323 = arith.constant 16 : index
        %get3A_324 = tpu.vector_load %arg11[%get3A_322, %get3A_323] {strides = array<i32>} : memref<200x128xf32, #tpu.memory_space<vmem>>, vector<1x16xf32>,
        %get3A_325 = vector.shape_cast %get3A_324 : vector<1x16xf32> to vector<16xf32>
        %get3A_326 = arith.index_cast %scan3A_309 : i32 to index
        %get3A_327 = arith.constant 16 : index
        %get3A_328 = tpu.vector_load %arg14[%get3A_326, %get3A_327] {strides = array<i32>} : memref<200x64xf32, #tpu.memory_space<vmem>>, vector<1x16xf32>,
        %get3A_329 = vector.shape_cast %get3A_328 : vector<1x16xf32> to vector<16xf32>
        %add3A_330 = arith.addf %get3A_325, %get3A_329 : vector<16xf32>
        %swap3A_331 = arith.index_cast %scan3A_309 : i32 to index
        %swap3A_332 = arith.constant 16 : index
        %swap3A_333 = tpu.vector_load %arg13[%swap3A_331, %swap3A_332] {strides = array<i32>} : memref<200x64xf32, #tpu.memory_space<vmem>>, vector<1x16xf32>,
        %swap3A_334 = vector.shape_cast %swap3A_333 : vector<1x16xf32> to vector<16xf32>
        %swap3A_335 = vector.shape_cast %add3A_330 : vector<16xf32> to vector<1x16xf32>
        tpu.vector_store %arg13[%swap3A_331, %swap3A_332], %swap3A_335 {strides = array<i32>} : memref<200x64xf32, #tpu.memory_space<vmem>>, vector<1x16xf32>,
        %get3A_336 = arith.index_cast %scan3A_309 : i32 to index
        %get3A_337 = arith.constant 32 : index
        %get3A_338 = tpu.vector_load %arg11[%get3A_336, %get3A_337] {strides = array<i32>} : memref<200x128xf32, #tpu.memory_space<vmem>>, vector<1x16xf32>,
        %get3A_339 = vector.shape_cast %get3A_338 : vector<1x16xf32> to vector<16xf32>
        %get3A_340 = arith.index_cast %scan3A_309 : i32 to index
        %get3A_341 = arith.constant 32 : index
        %get3A_342 = tpu.vector_load %arg14[%get3A_340, %get3A_341] {strides = array<i32>} : memref<200x64xf32, #tpu.memory_space<vmem>>, vector<1x16xf32>,
        %get3A_343 = vector.shape_cast %get3A_342 : vector<1x16xf32> to vector<16xf32>
        %add3A_344 = arith.addf %get3A_339, %get3A_343 : vector<16xf32>
        %swap3A_345 = arith.index_cast %scan3A_309 : i32 to index
        %swap3A_346 = arith.constant 32 : index
        %swap3A_347 = tpu.vector_load %arg13[%swap3A_345, %swap3A_346] {strides = array<i32>} : memref<200x64xf32, #tpu.memory_space<vmem>>, vector<1x16xf32>,
        %swap3A_348 = vector.shape_cast %swap3A_347 : vector<1x16xf32> to vector<16xf32>
        %swap3A_349 = vector.shape_cast %add3A_344 : vector<16xf32> to vector<1x16xf32>
        tpu.vector_store %arg13[%swap3A_345, %swap3A_346], %swap3A_349 {strides = array<i32>} : memref<200x64xf32, #tpu.memory_space<vmem>>, vector<1x16xf32>,
        %get3A_350 = arith.index_cast %scan3A_309 : i32 to index
        %get3A_351 = arith.constant 48 : index
        %get3A_352 = tpu.vector_load %arg11[%get3A_350, %get3A_351] {strides = array<i32>} : memref<200x128xf32, #tpu.memory_space<vmem>>, vector<1x16xf32>,
        %get3A_353 = vector.shape_cast %get3A_352 : vector<1x16xf32> to vector<16xf32>
        %get3A_354 = arith.index_cast %scan3A_309 : i32 to index
        %get3A_355 = arith.constant 48 : index
        %get3A_356 = tpu.vector_load %arg14[%get3A_354, %get3A_355] {strides = array<i32>} : memref<200x64xf32, #tpu.memory_space<vmem>>, vector<1x16xf32>,
        %get3A_357 = vector.shape_cast %get3A_356 : vector<1x16xf32> to vector<16xf32>
        %add3A_358 = arith.addf %get3A_353, %get3A_357 : vector<16xf32>
        %swap3A_359 = arith.index_cast %scan3A_309 : i32 to index
        %swap3A_360 = arith.constant 48 : index
        %swap3A_361 = tpu.vector_load %arg13[%swap3A_359, %swap3A_360] {strides = array<i32>} : memref<200x64xf32, #tpu.memory_space<vmem>>, vector<1x16xf32>,
        %swap3A_362 = vector.shape_cast %swap3A_361 : vector<1x16xf32> to vector<16xf32>
        %swap3A_363 = vector.shape_cast %add3A_358 : vector<16xf32> to vector<1x16xf32>
        tpu.vector_store %arg13[%swap3A_359, %swap3A_360], %swap3A_363 {strides = array<i32>} : memref<200x64xf32, #tpu.memory_space<vmem>>, vector<1x16xf32>,
      }
      %scan3A_290 = arith.constant 200 : i32
      %lt3A_291 = arith.constant 31 : i32
      %lt3A_292 = arith.cmpi slt, %scan3A_77, %lt3A_291 : i32
      %convert_element_type3A_293 = arith.extui %lt3A_292 : i1 to i32
      %cond3A_294 = arith.constant 0 : i32
      %cond3A_295 = arith.cmpi ne, %convert_element_type3A_293, %cond3A_294 : i32
      scf.if %cond3A_295 {
        %dma_wait3A_309 = arith.constant 0 : i32
        %dma_wait3A_310 = tpu.memref_slice %arg2[%dma_wait3A_309] : memref<819200xi32, #tpu.memory_space<hbm>> -> memref<200xi32, #tpu.memory_space<hbm>>
        %dma_wait3A_311 = arith.constant 0 : i32
        %dma_wait3A_312 = tpu.memref_slice %arg2[%dma_wait3A_311] : memref<819200xi32, #tpu.memory_space<hbm>> -> memref<200xi32, #tpu.memory_space<hbm>>
        tpu.wait_dma2 semaphore(%arg18 : memref<!tpu.dma_semaphore, #tpu.memory_space<semaphore_mem>>) src(%dma_wait3A_312 : memref<200xi32, #tpu.memory_space<hbm>>) dst(%arg7 : memref<200xi32, #tpu.memory_space<vmem>>)
        %dma_start3A_313 = arith.constant 0 : i32
        %dma_start3A_314 = arith.constant 0 : i32
        %dma_start3A_315 = tpu.memref_slice %arg11[%dma_start3A_313, %dma_start3A_314] : memref<200x128xf32, #tpu.memory_space<vmem>> -> memref<128x128xf32, #tpu.memory_space<vmem>>
        %dma_start3A_316 = arith.constant 0 : i32
        %dma_start3A_317 = tpu.memref_slice %arg7[%dma_start3A_316] : memref<200xi32, #tpu.memory_space<vmem>> -> memref<128xi32, #tpu.memory_space<vmem>>
        %dma_start3A_318 = arith.constant 0 : i32
        %dma_start3A_319 = arith.constant 0 : i32
        %dma_start3A_320 = tpu.memref_slice %arg3[%dma_start3A_318, %dma_start3A_319] : memref<1000000x128xf32, #tpu.memory_space<hbm>> -> memref<1000000x128xf32, #tpu.memory_space<hbm>>
        tpu.enqueue_indirect_dma source(%dma_start3A_320 : memref<1000000x128xf32, #tpu.memory_space<hbm>>) target(%dma_start3A_315 : memref<128x128xf32, #tpu.memory_space<vmem>>) offsets(%dma_start3A_317 : memref<128xi32, #tpu.memory_space<vmem>>) semaphore(%arg16 : memref<!tpu.dma_semaphore, #tpu.memory_space<semaphore_mem>>)
        %dma_start3A_321 = arith.constant 128 : i32
        %dma_start3A_322 = arith.constant 0 : i32
        %dma_start3A_323 = tpu.memref_slice %arg11[%dma_start3A_321, %dma_start3A_322] : memref<200x128xf32, #tpu.memory_space<vmem>> -> memref<72x128xf32, #tpu.memory_space<vmem>>
        %dma_start3A_324 = arith.constant 128 : i32
        %dma_start3A_325 = tpu.memref_slice %arg7[%dma_start3A_324] : memref<200xi32, #tpu.memory_space<vmem>> -> memref<72xi32, #tpu.memory_space<vmem>>
        %dma_start3A_326 = arith.constant 0 : i32
        %dma_start3A_327 = arith.constant 0 : i32
        %dma_start3A_328 = tpu.memref_slice %arg3[%dma_start3A_326, %dma_start3A_327] : memref<1000000x128xf32, #tpu.memory_space<hbm>> -> memref<1000000x128xf32, #tpu.memory_space<hbm>>
        tpu.enqueue_indirect_dma source(%dma_start3A_328 : memref<1000000x128xf32, #tpu.memory_space<hbm>>) target(%dma_start3A_323 : memref<72x128xf32, #tpu.memory_space<vmem>>) offsets(%dma_start3A_325 : memref<72xi32, #tpu.memory_space<vmem>>) semaphore(%arg16 : memref<!tpu.dma_semaphore, #tpu.memory_space<semaphore_mem>>)
      } else {
      }
      %lt3A_296 = arith.constant 31 : i32
      %lt3A_297 = arith.cmpi slt, %scan3A_77, %lt3A_296 : i32
      %convert_element_type3A_298 = arith.extui %lt3A_297 : i1 to i32
      %cond3A_299 = arith.constant 0 : i32
      %cond3A_300 = arith.cmpi ne, %convert_element_type3A_298, %cond3A_299 : i32
      scf.if %cond3A_300 {
        %add3A_309 = arith.constant 4 : i32
        %add3A_310 = arith.addi %add3A_258, %add3A_309 : i32
        %mul3A_311 = arith.constant 200 : i32
        %mul3A_312 = arith.muli %add3A_310, %mul3A_311 : i32
        %add3A_313 = arith.addi %mul3A_4, %mul3A_312 : i32
        %multiple_of3A_314 = tpu.assume_multiple %add3A_313, 8 : i32
        %dma_start3A_315 = tpu.memref_slice %arg2[%multiple_of3A_314] : memref<819200xi32, #tpu.memory_space<hbm>> -> memref<200xi32, #tpu.memory_space<hbm>>
        %dma_start3A_316 = tpu.memref_slice %arg2[%multiple_of3A_314] : memref<819200xi32, #tpu.memory_space<hbm>> -> memref<200xi32, #tpu.memory_space<hbm>>
        tpu.enqueue_dma source(%dma_start3A_316 : memref<200xi32, #tpu.memory_space<hbm>>) target(%arg9 : memref<200xi32, #tpu.memory_space<vmem>>) target_semaphore(%arg20 : memref<!tpu.dma_semaphore, #tpu.memory_space<semaphore_mem>>)
      } else {
      }
      %mul3A_301 = arith.constant 200 : i32
      %mul3A_302 = arith.muli %add3A_258, %mul3A_301 : i32
      %add3A_303 = arith.addi %mul3A_4, %mul3A_302 : i32
      %multiple_of3A_304 = tpu.assume_multiple %add3A_303, 8 : i32
      %dma_start3A_305 = arith.constant 0 : i32
      %dma_start3A_306 = tpu.memref_slice %arg5[%multiple_of3A_304, %dma_start3A_305] : memref<819200x64xf32, #tpu.memory_space<hbm>> -> memref<200x64xf32, #tpu.memory_space<hbm>>
      %dma_start3A_307 = arith.constant 0 : i32
      %dma_start3A_308 = tpu.memref_slice %arg5[%multiple_of3A_304, %dma_start3A_307] : memref<819200x64xf32, #tpu.memory_space<hbm>> -> memref<200x64xf32, #tpu.memory_space<hbm>>
      tpu.enqueue_dma source(%arg13 : memref<200x64xf32, #tpu.memory_space<vmem>>) target(%dma_start3A_308 : memref<200x64xf32, #tpu.memory_space<hbm>>) target_semaphore(%arg22 : memref<!tpu.dma_semaphore, #tpu.memory_space<semaphore_mem>>)
    }
    %scan3A_62 = arith.constant 32 : i32
    %add3A_63 = arith.constant 25200 : i32
    %add3A_64 = arith.addi %mul3A_4, %add3A_63 : i32
    %multiple_of3A_65 = tpu.assume_multiple %add3A_64, 8 : i32
    %dma_wait3A_66 = arith.constant 0 : i32
    %dma_wait3A_67 = tpu.memref_slice %arg5[%multiple_of3A_65, %dma_wait3A_66] : memref<819200x64xf32, #tpu.memory_space<hbm>> -> memref<200x64xf32, #tpu.memory_space<hbm>>
    %dma_wait3A_68 = arith.constant 0 : i32
    %dma_wait3A_69 = tpu.memref_slice %arg5[%multiple_of3A_65, %dma_wait3A_68] : memref<819200x64xf32, #tpu.memory_space<hbm>> -> memref<200x64xf32, #tpu.memory_space<hbm>>
    tpu.wait_dma2 semaphore(%arg21 : memref<!tpu.dma_semaphore, #tpu.memory_space<semaphore_mem>>) src(%arg12 : memref<200x64xf32, #tpu.memory_space<vmem>>) dst(%dma_wait3A_69 : memref<200x64xf32, #tpu.memory_space<hbm>>)
    %add3A_70 = arith.constant 25400 : i32
    %add3A_71 = arith.addi %mul3A_4, %add3A_70 : i32
    %multiple_of3A_72 = tpu.assume_multiple %add3A_71, 8 : i32
    %dma_wait3A_73 = arith.constant 0 : i32
    %dma_wait3A_74 = tpu.memref_slice %arg5[%multiple_of3A_72, %dma_wait3A_73] : memref<819200x64xf32, #tpu.memory_space<hbm>> -> memref<200x64xf32, #tpu.memory_space<hbm>>
    %dma_wait3A_75 = arith.constant 0 : i32
    %dma_wait3A_76 = tpu.memref_slice %arg5[%multiple_of3A_72, %dma_wait3A_75] : memref<819200x64xf32, #tpu.memory_space<hbm>> -> memref<200x64xf32, #tpu.memory_space<hbm>>
    tpu.wait_dma2 semaphore(%arg22 : memref<!tpu.dma_semaphore, #tpu.memory_space<semaphore_mem>>) src(%arg13 : memref<200x64xf32, #tpu.memory_space<vmem>>) dst(%dma_wait3A_76 : memref<200x64xf32, #tpu.memory_space<hbm>>)
    return
  }
}

</mosaic_0001>

<sc_bundles>
// kernel: _emb.3.cloned.1.call-start
scs
__scs_entry_jumppad:
0x0: {  	(pc) =	sbr.rel $0x88, $3  }
0x1: {  	(tag) =	ssettag $0x0;
	lr =	simm.s32 $0x1  }
0x2: {  	[smem:$0x3F9E] =	sst lr;
	_ =	strace $0xD0000000  }
0x3: {  	_ = 	snop  }
0x4: {  	_ = 	snop  }
0x5: {  	_ = 	snop  }
0x6: {  	_ = 	snop  }
0x7: {  	_ = 	snop  }
__scs_overlays_trampoline_lowered:
0x8: {  	[smem:$0x3FAD] =	sst s0  }
0x9: {  	[smem:$0x3FAE] =	sst s1  }
0xa: {  	[smem:$0x3FAF] =	sst s2  }
0xb: {  	[smem:$0x3FB0] =	sst s3  }
0xc: {  	[smem:$0x3FB1] =	sst s4  }
0xd: {  	[smem:$0x3FB2] =	sst s5  }
0xe: {  	[smem:$0x3FB3] =	sst s6  }
0xf: {  	[smem:$0x3FB4] =	sst s7  }
0x10: {  	[smem:$0x3FB5] =	sst s8  }
0x11: {  	[smem:$0x3FB6] =	sst s9;
	s0 =	simm.s32 @!p0 $0x0  }
0x12: {  	s1 =	sld [smem:$0x3F9C];
	s0 =	simm.s32 @p0 $0x1  }
0x13: {  	[smem:$0x3FB7] =	sst s0;
	s0 =	simm.s32 @!p1 $0x0  }
0x14: {  	s2 =	sld [smem:$0x3F9B];
	s0 =	simm.s32 @p1 $0x1  }
0x15: {  	[smem:$0x3FB8] =	sst s0;
	s0 =	simm.s32 @!p2 $0x0  }
0x16: {  	s3 =	sld [smem:$0x3FDB];
	s0 =	simm.s32 @p2 $0x1  }
0x17: {  	s4 =	simm.s32 $0x1BF5;
	[smem:$0x3FBA] =	sst s0  }
0x18: {  	s0 =	sld [smem:$0x3F9D];
	_ =	swait.ge [sflag:s4], $0x0  }
0x19: {  	s7 =	sld [smem:$0x3F9E]  }
0x1a: {  	s8 =	sadd.s32 $0xFFFFE003, lr  }
0x1b: {  	s9 =	sadd.s32 $0xFFFFFEF7, lr;
	s5 =	simm.s32 $0xFFFFFFFF;
	p2 =	slt.u32 s8, $0xFFFFF086  }
0x1c: {  	p1 =	slt.u32 s9, $0xF7A;
	s5 =	simm.s32 @!p2 $0x0  }
0x1d: {  	s5 =	simm.s32 @p1 $0x1;
	p0 =	seq.s32 s7, s2  }
0x1e: {  	s7 =	smul.u32 @!p0 $0xF7A, s2;
	p2 =	seq.s32 @!p0 s5, $0x0  }
0x1f: {  	s9 =	smul.u32 $0xF7A, s1;
	s8 =	simm.s32 @!p0 $0x1BF5;
	p2 =	por !p2, p0  }
0x20: {  	[sflag:s8] =	ssyncset.s32 @!p0 $0xFFFFF086;
	s6 =	sadd.s32 @!p0 s3, s7;
	s7 =	simm.s32 @!p0 $0x108  }
0x21: {  	s3 =	sadd.s32 s3, s9;
	s6 =	sadd.s32 @!p0 $0x88, s6;
	s7 =	simm.s32 @p2 $0x1082  }
0x22: {  	[simem:s7], [sflag:s8] =	dma.local @!p0 [hbm:s6], $0xF7A  }
0x23: {  	s9 =	sor.u32 $0xD0000000, s2;
	s6 =	simm.s32 $0x108;
	_ =	swait.ge @!p0 [sflag:s8], $0x0  }
0x24: {  	s3 =	sadd.s32 $0x88, s3;
	s6 =	simm.s32 @!p1 $0x1082;
	[sflag:s4] =	ssyncset.s32 $0xFFFFF086  }
0x25: {  	[simem:s6], [sflag:s4] =	dma.local [hbm:s3], $0xF7A  }
0x26: {  	[smem:$0x3F9E] =	sst s1;
	(tag) =	ssettag s2;
	_ =	strace s9  }
0x27: {  	s1 =	sld [smem:$0x3FAE]  }
0x28: {  	s2 =	sld [smem:$0x3FAF]  }
0x29: {  	s4 =	sld [smem:$0x3FB1]  }
0x2a: {  	p0 =	seq.s32 s5, $0x0;
	s5 =	sld [smem:$0x3FB2]  }
0x2b: {  	s6 =	sld [smem:$0x3FB3]  }
0x2c: {  	s7 =	sld [smem:$0x3FB4]  }
0x2d: {  	s3 =	simm.s32 $0x108;
	s8 =	sld [smem:$0x3FB5]  }
0x2e: {  	s3 =	simm.s32 @!p0 $0x1082;
	s9 =	sld [smem:$0x3FB6]  }
0x2f: {  	lr =	sadd.s32 s0, s3;
	s0 =	sld [smem:$0x3FAD]  }
0x30: {  	s3 =	sld [smem:$0x3FB0]  }
0x31: {  	[smem:$0x3FB9] =	sst s10  }
0x32: {  	s10 =	sld [smem:$0x3FB7];
	_ =	sdelay $0x3  }
0x33: {  	p0 =	seq.s32 s10, $0x1;
	s10 =	sld [smem:$0x3FB9];
	_ =	sdelay $0x3  }
0x34: {  	[smem:$0x3FB9] =	sst s10  }
0x35: {  	s10 =	sld [smem:$0x3FB8];
	_ =	sdelay $0x3  }
0x36: {  	p1 =	seq.s32 s10, $0x1;
	s10 =	sld [smem:$0x3FB9];
	_ =	sdelay $0x3  }
0x37: {  	[smem:$0x3FB9] =	sst s10  }
0x38: {  	s10 =	sld [smem:$0x3FBA]  }
0x39: {  	_ = 	snop;
	(pc) =	sbr.ind lr, $3  }
0x3a: {  	_ = 	snop  }
0x3b: {  	_ = 	snop  }
0x3c: {  	p2 =	seq.s32 s10, $0x1;
	s10 =	sld [smem:$0x3FB9]  }
0x3d: {  	_ =	shalt  }
0x3e: {  	_ =	shalt  }
0x3f: {  	_ =	shalt  }
0x40: {  	_ =	shalt  }
0x41: {  	_ =	shalt  }
0x42: {  	_ =	shalt  }
0x43: {  	_ =	shalt  }
0x44: {  	_ =	shalt  }
0x45: {  	_ =	shalt  }
0x46: {  	_ =	shalt  }
0x47: {  	_ =	shalt  }
0x48: {  	_ =	shalt  }
0x49: {  	_ =	shalt  }
0x4a: {  	_ =	shalt  }
0x4b: {  	_ =	shalt  }
0x4c: {  	_ =	shalt  }
0x4d: {  	_ =	shalt  }
0x4e: {  	_ =	shalt  }
0x4f: {  	_ =	shalt  }
0x50: {  	_ =	shalt  }
0x51: {  	_ =	shalt  }
0x52: {  	_ =	shalt  }
0x53: {  	_ =	shalt  }
0x54: {  	_ =	shalt  }
0x55: {  	_ =	shalt  }
0x56: {  	_ =	shalt  }
0x57: {  	_ =	shalt  }
0x58: {  	_ =	shalt  }
0x59: {  	_ =	shalt  }
0x5a: {  	_ =	shalt  }
0x5b: {  	_ =	shalt  }
0x5c: {  	_ =	shalt  }
0x5d: {  	_ =	shalt  }
0x5e: {  	_ =	shalt  }
0x5f: {  	_ =	shalt  }
0x60: {  	_ =	shalt  }
0x61: {  	_ =	shalt  }
0x62: {  	_ =	shalt  }
0x63: {  	_ =	shalt  }
0x64: {  	_ =	shalt  }
0x65: {  	_ =	shalt  }
0x66: {  	_ =	shalt  }
0x67: {  	_ =	shalt  }
0x68: {  	_ =	shalt  }
0x69: {  	_ =	shalt  }
0x6a: {  	_ =	shalt  }
0x6b: {  	_ =	shalt  }
0x6c: {  	_ =	shalt  }
0x6d: {  	_ =	shalt  }
0x6e: {  	_ =	shalt  }
0x6f: {  	_ =	shalt  }
0x70: {  	_ =	shalt  }
0x71: {  	_ =	shalt  }
0x72: {  	_ =	shalt  }
0x73: {  	_ =	shalt  }
0x74: {  	_ =	shalt  }
0x75: {  	_ =	shalt  }
0x76: {  	_ =	shalt  }
0x77: {  	_ =	shalt  }
0x78: {  	_ =	shalt  }
0x79: {  	_ =	shalt  }
0x7a: {  	_ =	shalt  }
0x7b: {  	_ =	shalt  }
0x7c: {  	_ =	shalt  }
0x7d: {  	_ =	shalt  }
0x7e: {  	_ =	shalt  }
0x7f: {  	_ =	shalt  }
0x80: {  	_ =	shalt  }
0x81: {  	_ =	shalt  }
0x82: {  	_ =	shalt  }
0x83: {  	_ =	shalt  }
0x84: {  	_ =	shalt  }
0x85: {  	_ =	shalt  }
0x86: {  	_ =	shalt  }
0x87: {  	_ =	shalt  }
.Lfunc_end0:
.L_simem_size_0:
called_computation_lowered:
.L_overlay_start_0:
0x88: {  	s2 =	sld [smem:$0x3FD9]  }
0x89: {  	s3 =	sld [smem:$0x3FFE];
	_ =	sdelay $0x1  }
0x8a: {  	s1 =	srdreg.scid  }
0x8b: {  	s0 =	sand.u32 $0x1, s1  }
0x8c: {  	s17 =	sshll.u32 s0, $0xA;
	s2 =	sadd.s32 s3, s2  }
0x8d: {  	s2 =	sadd.s32 s2, s17  }
0x8e: {  	[smem:$0x3FC5] =	sst s2  }
0x8f: {  	_ = 	snop  }
0x90: {  	s2 =	sld [smem:$0x3FC9]  }
0x91: {  	s18 =	sld [smem:$0x3FC8]  }
0x92: {  	s4 =	sld [smem:$0x3FD0];
	(tm) =	ssettm $0x1  }
0x93: {  	s5 =	sld [smem:$0x3FFB];
	_ =	sdelay $0x3  }
0x94: {  	_ =	strace s5  }
0x95: {  	s5 =	sld [smem:$0x3FFC];
	_ =	sdelay $0x3  }
0x96: {  	_ =	strace s5  }
0x97: {  	s5 =	sld [smem:$0x3FFD];
	_ =	sdelay $0x3  }
0x98: {  	_ =	strace s5  }
0x99: {  	_ =	strace $0x8FFFFFFF  }
0x9a: {  	s19 =	sld [smem:$0x3FDB];
	_ =	sdelay $0x1  }
0x9b: {  	s6 =	simm.s32 $_scs_section_size  }
0x9c: {  	s7 =	simm.s32 $_size__tile_overlayer_lowered;
	s8 =	simm.s32 $_tile_overlayer_lowered  }
0x9d: {  	s22 =	simm.s32 $0x1BFF;
	s21 =	sshll.u32 s8, $0x1;
	s5 =	sadd.s32 s6, s19  }
0x9e: {  	s9 =	simm.s32 $0x0;
	s20 =	sshll.u32 s7, $0x1;
	s7 =	sadd.s32 s21, s5  }
0x9f: {  	[timem:s9], [sflag:s22] =	dma.local [hbm:s7], s20  }
0xa0: {  	_ =	swait.ge [sflag:s22], s20  }
0xa1: {  	s6 =	ssub.s32 $0x0, s20;
	[sflag:s22] =	ssyncset.done $0x0  }
0xa2: {  	[sflag:s22] =	ssyncadd.s32 s6;
	_ =	sdelay $0x1  }
0xa3: {  	s23 =	simm.s32 $0x1B8B  }
0xa4: {  	_ =	swait.ge [sflag:s23], $0x1  }
0xa5: {  	[sflag:s23] =	ssyncset.done $0x0  }
0xa6: {  	s25 =	simm.s32 $0x1B8E;
	s24 =	sld [smem:$0x3FFE];
	[sflag:s23] =	ssyncadd.s32 $0xFFFFFFFF  }
0xa7: {  	s26 =	simm.s32 $execute0_lowered;
	[smem:$0x3FD2] =	sst s25  }
0xa8: {  	s7 =	sshll.u32 s26, $0x1;
	_ =	strace $0x80000046;
	[dreg:$0x1] =	wrdreg $0xFFFFFFFF  }
0xa9: {  	s28 =	simm.s32 $_size_execute0_lowered;
	s5 =	sadd.s32 s5, s7;
	[dreg:$0x0] =	wrdreg $0x0  }
0xaa: {  	s7 =	sshll.u32 s28, $0x1;
	[dreg:$0x2] =	wrdreg s5  }
0xab: {  	[dreg:$0x3] =	wrdreg s7  }
0xac: {  	[dreg:$0x4] =	wrdreg $0xC0  }
0xad: {  	_ =	task [dreg:s9], $0x5FFFF  }
0xae: {  	[dreg:$0x1] =	wrdreg $0xFFFFFFFF  }
0xaf: {  	[dreg:$0x0] =	wrdreg $0x60  }
0xb0: {  	[dreg:$0x2] =	wrdreg s2  }
0xb1: {  	[dreg:$0x3] =	wrdreg s18  }
0xb2: {  	[dreg:$0x4] =	wrdreg s4  }
0xb3: {  	[dreg:$0x5] =	wrdreg s24  }
0xb4: {  	[dreg:$0x6] =	wrdreg $0x9  }
0xb5: {  	_ =	task.clear_ibuf [dreg:s9], $0x7FFFF;
	_ =	strace $0x90000046  }
0xb6: {  	s29 =	simm.s32 $0x9;
	_ =	strace $0x80000048  }
0xb7: {  	_ =	swait.ge [sflag:s29], $0x1  }
0xb8: {  	[sflag:s29] =	ssyncadd.s32 $0xFFFFFFFF  }
0xb9: {  	_ =	strace $0x90000048  }
0xba: {  	_ =	sfence  }
0xbb: {  	s30 =	sld [smem:$0x0];
	_ =	sdelay $0x2  }
0xbc: {  	s31 =	sshll.u32 s1, $0xD;
	s1 =	sshrl.u32 s1, $0x2  }
0xbd: {  	s3 =	sand.u32 $0x4000, s31;
	s1 =	sadd.s32 s1, s30  }
0xbe: {  	s0 =	sor.u32 s3, s0;
	s1 =	sshll.u32 s1, $0x11  }
0xbf: {  	s0 =	sor.u32 s1, s0  }
0xc0: {  	s0 =	sadd.s32 $0x8F2B, s0  }
0xc1: {  	[sflag:s0] =	ssyncadd.remote.s32 $0x1  }
0xc2: {  	_ =	sfence.sel $0xFFFF  }
0xc3: {  	[dreg:$0x0] =	wrdreg $0xFFFFFFFF;
	(pc) =	sbr.abs _section_cstart, $3  }
0xc4: {  	[dreg:$0x1] =	wrdreg $0xFFFFFFFF  }
0xc5: {  	_ =	task.clear_ibuf [dreg:s9], $0x2FFFF;
	_ =	strace $0x9FFFFFFF  }
0xc6: {  	(tm) =	ssettm $0x7FFFFFFF  }
0xc7: {  	_ =	shalt  }
tec
execute0_lowered:
.L_overlay_start_1:
0x0: {  	(tag) =	ssettag $0x1  }
0x1: {  	s1 =	rddreg [dreg:$0x0]  }
0x2: {  	s2 =	rddreg [dreg:$0x1];
	s0 =	srdreg.scid  }
0x3: {  	s3 =	stileid.u32;
	s4 =	rddreg [dreg:$0x3];
	s5 =	simm.s32 $0x0  }
0x4: {  	s28 =	simm.s32 $0x48;
	s20 =	simm.s32 $0x1;
	s31 =	simm.s32 $0x5  }
0x5: {  	s10 =	simm.s32 $0xCC00;
	s11 =	simm.s32 $0x2;
	s23 =	simm.s32 $0x6  }
0x6: {  	s21 =	simm.s32 $0x7;
	s22 =	simm.s32 $0x8;
	s19 =	simm.s32 $0x0  }
0x7: {  	s0 =	sand.u32 $0x1, s0;
	s3 =	sshll.u32 s3, $0x1;
	[smem:$0x7FF] =	sst s5  }
0x8: {  	s7 =	sadd.s32 $0x400, s4;
	s3 =	sor.u32 s0, s3;
	s0 =	ssub.s32 $0x2, s0  }
0x9: {  	s4 =	simm.s32 $0x300;
	s6 =	smul.u32 $0x6400, s3;
	s25 =	sshrl.u32 s0, $0x1  }
0xa: {  	_ =	strace $0x80000047;
	s0 =	ssub.s32 s0, s25;
	s25 =	simm.s32 $0x80  }
0xb: {  	s8 =	sshrl.u32 s6, $0x3;
	s12 =	sor.u32 $0x320, s6;
	s13 =	sor.u32 $0x3E8, s6  }
0xc: {  	s14 =	sor.u32 $0xC8, s6;
	s15 =	sadd.s32 $0x4B0, s6;
	s0 =	smax.u32 s0, $0x1  }
0xd: {  	s16 =	sor.u32 $0x190, s6;
	s26 =	sadd.s32 s1, s8;
	[dreg:$0x9] =	wrdreg s0  }
0xe: {  	s17 =	sadd.s32 $0x578, s6;
	s29 =	sadd.s32 $0x19, s26;
	[dreg:$0x5] =	wrdreg s26  }
0xf: {  	s18 =	sor.u32 $0x258, s6;
	s30 =	sadd.s32 $0x32, s26;
	[dreg:$0x6] =	wrdreg s29  }
0x10: {  	s0 =	simm.s32 $0x200;
	s3 =	sadd.s32 $0x4B, s26;
	[dreg:$0x7] =	wrdreg s30  }
0x11: {  	s8 =	simm.s32 $0x13000;
	[dreg:$0x8] =	wrdreg s3;
	s3 =	simm.s32 $0xA800  }
.LBB2_1:
0x12: {  	[dreg:$0xa] =	wrdreg s19  }
0x13: {  	s9 =	rddreg [dreg:$0x2];
	s26 =	simm.s32 $0x19400;
	s29 =	simm.s32 $0x9  }
0x14: {  	[tilespmem:s26], [sflag:$0x9] =	stream.linear.gather [hbm4b:s9+s5], $0x6400, $0x38;
	[tilespmem:$0x1F800] =	vst v63  }
0x15: {  	_ =	swait.ge [sflag:s29], $0x6400  }
0x16: {  	[sflag:s29] =	ssyncset.done $0x0  }
0x17: {  	s19 =	simm.s32 $0x3;
	s30 =	rddreg [dreg:$0x5];
	[sflag:s29] =	ssyncadd.s32 $0xFFFF9C00  }
0x18: {  	[tilespmem:s5], [sflag:$0x3] =	stream.linear.gather [hbm4b:s30+s5], $0xC8, $0x38;
	[tilespmem:$0x1F800] =	vst v63  }
0x19: {  	_ =	swait.ge [sflag:s19], $0xC8  }
0x1a: {  	s26 =	simm.s32 $0x4;
	[sflag:s19] =	ssyncset.done $0x0  }
0x1b: {  	s24 =	rddreg [dreg:$0x6];
	[sflag:s19] =	ssyncadd.s32 $0xFFFFFF38;
	s19 =	simm.s32 $0x100  }
0x1c: {  	[tilespmem:s19], [sflag:$0x4] =	stream.linear.gather [hbm4b:s24+s5], $0xC8, $0x38;
	[tilespmem:$0x1F800] =	vst v63  }
0x1d: {  	_ =	swait.ge [sflag:s26], $0xC8  }
0x1e: {  	[sflag:s26] =	ssyncset.done $0x0  }
0x1f: {  	s29 =	simm.s32 $0x400;
	[sflag:s26] =	ssyncadd.s32 $0xFFFFFF38  }
0x20: {  	[tilespmem:s29], [sflag:$0x1] =	stream.indirect.gather [hbm4b:s2+s25], $0x80, s5, s25, $0xb8;
	[tilespmem:$0x1F800] =	vst v63  }
0x21: {  	s30 =	simm.s32 $0x4400  }
0x22: {  	[tilespmem:s30], [sflag:$0x1] =	stream.indirect.gather [hbm4b:s2+s28], $0x80, s25, s28, $0xb8;
	[tilespmem:$0x1F800] =	vst v63  }
0x23: {  	s24 =	simm.s32 $0x6800  }
0x24: {  	[tilespmem:s24], [sflag:$0x2] =	stream.indirect.gather [hbm4b:s2+s25], $0x80, s19, s25, $0xb8;
	[tilespmem:$0x1F800] =	vst v63  }
0x25: {  	s26 =	simm.s32 $0x180  }
0x26: {  	[tilespmem:s3], [sflag:$0x2] =	stream.indirect.gather [hbm4b:s2+s28], $0x80, s26, s28, $0xb8;
	[tilespmem:$0x1F800] =	vst v63  }
0x27: {  	s29 =	rddreg [dreg:$0x7]  }
0x28: {  	[tilespmem:s0], [sflag:$0x5] =	stream.linear.gather [hbm4b:s29+s5], $0xC8, $0x38;
	[tilespmem:$0x1F800] =	vst v63  }
0x29: {  	s30 =	rddreg [dreg:$0x8];
	s24 =	simm.s32 $0x0  }
0x2a: {  	[tilespmem:s4], [sflag:$0x6] =	stream.linear.gather [hbm4b:s30+s5], $0xC8, $0x38;
	[tilespmem:$0x1F800] =	vst v63  }
.LBB2_2:
0x2b: {  	_ =	swait.ge [sflag:s20], $0x4000  }
0x2c: {  	[sflag:s20] =	ssyncset.done $0x0  }
0x2d: {  	[sflag:s20] =	ssyncadd.s32 $0xFFFFC000  }
0x2e: {  	_ =	swait.ge [sflag:s20], $0x2400  }
0x2f: {  	p1 =	seq.s32 s24, $0x0;
	[sflag:s20] =	ssyncset.done $0x0  }
0x30: {  	s9 =	simm.s32 @!p1 $0x7;
	[sflag:s20] =	ssyncadd.s32 $0xFFFFDC00  }
0x31: {  	_ =	swait.ge @!p1 [sflag:s9], $0x6400  }
0x32: {  	[sflag:s9] =	ssyncset.done @!p1 $0x0  }
0x33: {  	[sflag:s9] =	ssyncadd.s32 @!p1 $0xFFFF9C00;
	s9 =	simm.s32 $0x0  }
0x34: {  	v2 =	vld [tilespmem:s9+$0x430]  }
0x35: {  	v4 =	vld [tilespmem:s9+$0x19430]  }
0x36: {  	v5 =	vld [tilespmem:s9+$0x400]  }
0x37: {  	v6 =	vld [tilespmem:s9+$0x19400]  }
0x38: {  	v1 =	vld [tilespmem:s9+$0x410]  }
0x39: {  	v3 =	vld [tilespmem:s9+$0x19410]  }
0x3a: {  	v0 =	vld [tilespmem:s9+$0x420];
	v7 =	vadd.f32 v4, v2  }
0x3b: {  	s19 =	simm.s32 $0x80;
	v4 =	vld [tilespmem:s9+$0x19420]  }
0x3c: {  	s26 =	simm.s32 $0x400;
	v2 =	vld [tilespmem:s19+$0x430];
	v5 =	vadd.f32 v6, v5;
	[tilespmem:s9+$0xCC30] =	vst v7  }
.LBB2_3:
0x3d: {  	p0 =	sne.s32 s26, $0x18E00;
	v6 =	vld [tilespmem:s19+$0x19430]  }
0x3e: {  	v7 =	vld [tilespmem:s19+$0x400];
	[tilespmem:s9+$0xCC00] =	vst v5;
	v3 =	vadd.f32 v3, v1  }
0x3f: {  	v5 =	vld [tilespmem:s19+$0x19400]  }
.Ltmp0:
0x40: {  	v1 =	vld [tilespmem:s19+$0x410];
	[tilespmem:s9+$0xCC10] =	vst v3;
	v4 =	vadd.f32 v4, v0;
	(pc) =	sbr.rel @p0 .LBB2_3-.Ltmp0, $4  }
0x41: {  	v3 =	vld [tilespmem:s19+$0x19410]  }
0x42: {  	v0 =	vld [tilespmem:s19+$0x420];
	v6 =	vadd.f32 v6, v2;
	[tilespmem:s9+$0xCC20] =	vst v4;
	s9 =	smov.u32 s19  }
0x43: {  	s19 =	sshra.s32 s26, $0x2;
	v4 =	vld [tilespmem:s9+$0x19420]  }
0x44: {  	s26 =	sadd.s32 $0x200, s26;
	v2 =	vld [tilespmem:s19+$0x430];
	v5 =	vadd.f32 v5, v7;
	[tilespmem:s9+$0xCC30] =	vst v6  }
0x45: {  	v6 =	vld [tilespmem:s19+$0x19430]  }
0x46: {  	v7 =	vld [tilespmem:s19+$0x400];
	[tilespmem:s9+$0xCC00] =	vst v5;
	v1 =	vadd.f32 v3, v1  }
0x47: {  	v3 =	vld [tilespmem:s19+$0x19400]  }
0x48: {  	v5 =	vld [tilespmem:s19+$0x410];
	[tilespmem:s9+$0xCC10] =	vst v1;
	v0 =	vadd.f32 v4, v0  }
0x49: {  	v1 =	vld [tilespmem:s19+$0x19410]  }
0x4a: {  	v4 =	vld [tilespmem:s19+$0x420];
	[tilespmem:s9+$0xCC20] =	vst v0  }
0x4b: {  	v0 =	vld [tilespmem:s19+$0x19420];
	_ =	sdelay $0x1  }
0x4c: {  	v2 =	vadd.f32 v6, v2  }
0x4d: {  	v3 =	vadd.f32 v3, v7  }
0x4e: {  	[tilespmem:s19+$0xCC30] =	vst v2;
	v1 =	vadd.f32 v1, v5  }
0x4f: {  	[tilespmem:s19+$0xCC00] =	vst v3;
	v0 =	vadd.f32 v0, v4  }
0x50: {  	[tilespmem:s19+$0xCC10] =	vst v1  }
0x51: {  	p0 =	seq.s32 s24, $0x1F;
	[tilespmem:s19+$0xCC20] =	vst v0  }
0x52: {  	s9 =	smul.u32 @!p0 $0x320, s24;
	_ =	swait.ge [sflag:s31], $0xC8  }
0x53: {  	s26 =	simm.s32 $0x400;
	[sflag:s31] =	ssyncset.done $0x0  }
0x54: {  	s30 =	simm.s32 $0x4400;
	s19 =	sadd.s32 @!p0 s9, s12;
	[sflag:s31] =	ssyncadd.s32 $0xFFFFFF38  }
0x55: {  	[tilespmem:s26], [sflag:$0x1] =	stream.indirect.gather [hbm4b:s2+s25], $0x80, s0, s25, $0xb8;
	[tilespmem:$0x1F800] =	vst v63  }
0x56: {  	s9 =	simm.s32 @p0 $0x60E0;
	s19 =	sshrl.u32 @!p0 s19, $0x3;
	s26 =	simm.s32 $0x280  }
0x57: {  	[tilespmem:s30], [sflag:$0x1] =	stream.indirect.gather [hbm4b:s2+s28], $0x80, s26, s28, $0xb8;
	[tilespmem:$0x1F800] =	vst v63  }
0x58: {  	s19 =	sadd.s32 @!p0 s1, s19;
	s26 =	simm.s32 @!p0 $0x0;
	s30 =	sadd.s32 s6, s9  }
0x59: {  	[tilespmem:s26], [sflag:$0x3] =	stream.linear.gather @!p0 [hbm4b:s19+s26], $0xC8, $0x38;
	[tilespmem:$0x1F800] =	vst v63  }
0x5a: {  	s19 =	sshll.u32 s30, $0x4  }
0x5b: {  	s19 =	sadd.s32 s7, s19  }
0x5c: {  	[hbm4b:s19+s5] =	stream.linear.scatter [tilespmem:s10], [sflag:$0x7], $0x6400, $0x38;
	[tilespmem:$0x1F800] =	vst v63  }
0x5d: {  	_ =	swait.ge [sflag:s11], $0x4000  }
0x5e: {  	[sflag:s11] =	ssyncset.done $0x0  }
0x5f: {  	[sflag:s11] =	ssyncadd.s32 $0xFFFFC000  }
0x60: {  	_ =	swait.ge [sflag:s11], $0x2400  }
0x61: {  	[sflag:s11] =	ssyncset.done $0x0  }
0x62: {  	s19 =	simm.s32 @!p1 $0x8;
	[sflag:s11] =	ssyncadd.s32 $0xFFFFDC00  }
0x63: {  	_ =	swait.ge @!p1 [sflag:s19], $0x6400  }
0x64: {  	[sflag:s19] =	ssyncset.done @!p1 $0x0  }
0x65: {  	[sflag:s19] =	ssyncadd.s32 @!p1 $0xFFFF9C00;
	s19 =	simm.s32 $0x0  }
0x66: {  	v2 =	vld [tilespmem:s19+$0x6830]  }
0x67: {  	v4 =	vld [tilespmem:s19+$0x19430]  }
0x68: {  	v5 =	vld [tilespmem:s19+$0x6800]  }
0x69: {  	v6 =	vld [tilespmem:s19+$0x19400]  }
0x6a: {  	v1 =	vld [tilespmem:s19+$0x6810]  }
0x6b: {  	v3 =	vld [tilespmem:s19+$0x19410]  }
0x6c: {  	v0 =	vld [tilespmem:s19+$0x6820];
	v7 =	vadd.f32 v4, v2  }
0x6d: {  	s26 =	simm.s32 $0x80;
	v4 =	vld [tilespmem:s19+$0x19420]  }
0x6e: {  	s29 =	simm.s32 $0x400;
	v2 =	vld [tilespmem:s26+$0x6830];
	v5 =	vadd.f32 v6, v5;
	[tilespmem:s19+$0x13030] =	vst v7  }
.LBB2_5:
0x6f: {  	p1 =	sne.s32 s29, $0x18E00;
	v6 =	vld [tilespmem:s26+$0x19430]  }
0x70: {  	v7 =	vld [tilespmem:s26+$0x6800];
	[tilespmem:s19+$0x13000] =	vst v5;
	v3 =	vadd.f32 v3, v1  }
0x71: {  	v5 =	vld [tilespmem:s26+$0x19400]  }
.Ltmp1:
0x72: {  	v1 =	vld [tilespmem:s26+$0x6810];
	[tilespmem:s19+$0x13010] =	vst v3;
	v4 =	vadd.f32 v4, v0;
	(pc) =	sbr.rel @p1 .LBB2_5-.Ltmp1, $4  }
0x73: {  	v3 =	vld [tilespmem:s26+$0x19410]  }
0x74: {  	v0 =	vld [tilespmem:s26+$0x6820];
	v6 =	vadd.f32 v6, v2;
	[tilespmem:s19+$0x13020] =	vst v4;
	s19 =	smov.u32 s26  }
0x75: {  	s26 =	sshra.s32 s29, $0x2;
	v4 =	vld [tilespmem:s19+$0x19420]  }
0x76: {  	s29 =	sadd.s32 $0x200, s29;
	v2 =	vld [tilespmem:s26+$0x6830];
	v5 =	vadd.f32 v5, v7;
	[tilespmem:s19+$0x13030] =	vst v6  }
0x77: {  	v6 =	vld [tilespmem:s26+$0x19430]  }
0x78: {  	v7 =	vld [tilespmem:s26+$0x6800];
	[tilespmem:s19+$0x13000] =	vst v5;
	v1 =	vadd.f32 v3, v1  }
0x79: {  	v3 =	vld [tilespmem:s26+$0x19400]  }
0x7a: {  	v5 =	vld [tilespmem:s26+$0x6810];
	[tilespmem:s19+$0x13010] =	vst v1;
	v0 =	vadd.f32 v4, v0  }
0x7b: {  	v1 =	vld [tilespmem:s26+$0x19410]  }
0x7c: {  	v4 =	vld [tilespmem:s26+$0x6820];
	[tilespmem:s19+$0x13020] =	vst v0  }
0x7d: {  	v0 =	vld [tilespmem:s26+$0x19420];
	_ =	sdelay $0x1  }
0x7e: {  	v2 =	vadd.f32 v6, v2  }
0x7f: {  	v3 =	vadd.f32 v3, v7  }
0x80: {  	[tilespmem:s26+$0x13030] =	vst v2;
	v1 =	vadd.f32 v1, v5  }
0x81: {  	[tilespmem:s26+$0x13000] =	vst v3;
	v0 =	vadd.f32 v0, v4  }
0x82: {  	[tilespmem:s26+$0x13010] =	vst v1  }
0x83: {  	[tilespmem:s26+$0x13020] =	vst v0  }
0x84: {  	_ =	swait.ge [sflag:s23], $0xC8  }
0x85: {  	[sflag:s23] =	ssyncset.done $0x0  }
0x86: {  	s19 =	sadd.s32 @!p0 s9, s13;
	s26 =	simm.s32 $0x6800;
	[sflag:s23] =	ssyncadd.s32 $0xFFFFFF38  }
0x87: {  	[tilespmem:s26], [sflag:$0x2] =	stream.indirect.gather [hbm4b:s2+s25], $0x80, s4, s25, $0xb8;
	[tilespmem:$0x1F800] =	vst v63  }
0x88: {  	s30 =	simm.s32 $0x380;
	s19 =	sshrl.u32 @!p0 s19, $0x3  }
0x89: {  	[tilespmem:s3], [sflag:$0x2] =	stream.indirect.gather [hbm4b:s2+s28], $0x80, s30, s28, $0xb8;
	[tilespmem:$0x1F800] =	vst v63  }
0x8a: {  	s29 =	simm.s32 @!p0 $0x100;
	s19 =	sadd.s32 @!p0 s1, s19;
	s26 =	simm.s32 @!p0 $0x0  }
0x8b: {  	[tilespmem:s29], [sflag:$0x4] =	stream.linear.gather @!p0 [hbm4b:s19+s26], $0xC8, $0x38;
	[tilespmem:$0x1F800] =	vst v63  }
0x8c: {  	s26 =	sadd.s32 s9, s14  }
0x8d: {  	s19 =	sshll.u32 s26, $0x4  }
0x8e: {  	s30 =	simm.s32 $0x0;
	s19 =	sadd.s32 s7, s19  }
0x8f: {  	[hbm4b:s19+s30] =	stream.linear.scatter [tilespmem:s8], [sflag:$0x8], $0x6400, $0x38;
	[tilespmem:$0x1F800] =	vst v63  }
0x90: {  	_ =	swait.ge [sflag:s20], $0x4000  }
0x91: {  	[sflag:s20] =	ssyncset.done $0x0  }
0x92: {  	[sflag:s20] =	ssyncadd.s32 $0xFFFFC000  }
0x93: {  	_ =	swait.ge [sflag:s20], $0x2400  }
0x94: {  	[sflag:s20] =	ssyncset.done $0x0  }
0x95: {  	[sflag:s20] =	ssyncadd.s32 $0xFFFFDC00  }
0x96: {  	_ =	swait.ge [sflag:s21], $0x6400  }
0x97: {  	[sflag:s21] =	ssyncset.done $0x0  }
0x98: {  	s19 =	simm.s32 $0x0;
	[sflag:s21] =	ssyncadd.s32 $0xFFFF9C00  }
0x99: {  	v2 =	vld [tilespmem:s19+$0x430]  }
0x9a: {  	v4 =	vld [tilespmem:s19+$0x19430]  }
0x9b: {  	v5 =	vld [tilespmem:s19+$0x400]  }
0x9c: {  	v6 =	vld [tilespmem:s19+$0x19400]  }
0x9d: {  	v1 =	vld [tilespmem:s19+$0x410]  }
0x9e: {  	v3 =	vld [tilespmem:s19+$0x19410]  }
0x9f: {  	v0 =	vld [tilespmem:s19+$0x420];
	v7 =	vadd.f32 v4, v2  }
0xa0: {  	s26 =	simm.s32 $0x80;
	v4 =	vld [tilespmem:s19+$0x19420]  }
0xa1: {  	s29 =	simm.s32 $0x400;
	v2 =	vld [tilespmem:s26+$0x430];
	v5 =	vadd.f32 v6, v5;
	[tilespmem:s19+$0xCC30] =	vst v7  }
.LBB2_7:
0xa2: {  	p1 =	sne.s32 s29, $0x18E00;
	v6 =	vld [tilespmem:s26+$0x19430]  }
0xa3: {  	v7 =	vld [tilespmem:s26+$0x400];
	[tilespmem:s19+$0xCC00] =	vst v5;
	v3 =	vadd.f32 v3, v1  }
0xa4: {  	v5 =	vld [tilespmem:s26+$0x19400]  }
.Ltmp2:
0xa5: {  	v1 =	vld [tilespmem:s26+$0x410];
	[tilespmem:s19+$0xCC10] =	vst v3;
	v4 =	vadd.f32 v4, v0;
	(pc) =	sbr.rel @p1 .LBB2_7-.Ltmp2, $4  }
0xa6: {  	v3 =	vld [tilespmem:s26+$0x19410]  }
0xa7: {  	v0 =	vld [tilespmem:s26+$0x420];
	v6 =	vadd.f32 v6, v2;
	[tilespmem:s19+$0xCC20] =	vst v4;
	s19 =	smov.u32 s26  }
0xa8: {  	s26 =	sshra.s32 s29, $0x2;
	v4 =	vld [tilespmem:s19+$0x19420]  }
0xa9: {  	s29 =	sadd.s32 $0x200, s29;
	v2 =	vld [tilespmem:s26+$0x430];
	v5 =	vadd.f32 v5, v7;
	[tilespmem:s19+$0xCC30] =	vst v6  }
0xaa: {  	v6 =	vld [tilespmem:s26+$0x19430]  }
0xab: {  	v7 =	vld [tilespmem:s26+$0x400];
	[tilespmem:s19+$0xCC00] =	vst v5;
	v1 =	vadd.f32 v3, v1  }
0xac: {  	v3 =	vld [tilespmem:s26+$0x19400]  }
0xad: {  	v5 =	vld [tilespmem:s26+$0x410];
	[tilespmem:s19+$0xCC10] =	vst v1;
	v0 =	vadd.f32 v4, v0  }
0xae: {  	v1 =	vld [tilespmem:s26+$0x19410]  }
0xaf: {  	v4 =	vld [tilespmem:s26+$0x420];
	[tilespmem:s19+$0xCC20] =	vst v0  }
0xb0: {  	v0 =	vld [tilespmem:s26+$0x19420];
	_ =	sdelay $0x1  }
0xb1: {  	v2 =	vadd.f32 v6, v2  }
0xb2: {  	v3 =	vadd.f32 v3, v7  }
0xb3: {  	[tilespmem:s26+$0xCC30] =	vst v2;
	v1 =	vadd.f32 v1, v5  }
0xb4: {  	[tilespmem:s26+$0xCC00] =	vst v3;
	v0 =	vadd.f32 v0, v4  }
0xb5: {  	[tilespmem:s26+$0xCC10] =	vst v1  }
0xb6: {  	s19 =	simm.s32 @!p0 $0x3;
	[tilespmem:s26+$0xCC20] =	vst v0  }
0xb7: {  	_ =	swait.ge @!p0 [sflag:s19], $0xC8  }
0xb8: {  	s29 =	simm.s32 @!p0 $0x400;
	[sflag:s19] =	ssyncset.done @!p0 $0x0  }
0xb9: {  	s26 =	simm.s32 @!p0 $0x0;
	[sflag:s19] =	ssyncadd.s32 @!p0 $0xFFFFFF38;
	s19 =	simm.s32 @!p0 $0x80  }
0xba: {  	[tilespmem:s29], [sflag:$0x1] =	stream.indirect.gather @!p0 [hbm4b:s2+s19], $0x80, s26, s19, $0xb8;
	[tilespmem:$0x1F800] =	vst v63  }
0xbb: {  	s30 =	simm.s32 @!p0 $0x4400;
	s29 =	simm.s32 @!p0 $0x48  }
0xbc: {  	[tilespmem:s30], [sflag:$0x1] =	stream.indirect.gather @!p0 [hbm4b:s2+s29], $0x80, s19, s29, $0xb8;
	[tilespmem:$0x1F800] =	vst v63  }
0xbd: {  	s19 =	sadd.s32 @!p0 s9, s15  }
0xbe: {  	s19 =	sshrl.u32 @!p0 s19, $0x3  }
0xbf: {  	s29 =	simm.s32 @!p0 $0x200;
	s19 =	sadd.s32 @!p0 s1, s19  }
0xc0: {  	[tilespmem:s29], [sflag:$0x5] =	stream.linear.gather @!p0 [hbm4b:s19+s26], $0xC8, $0x38;
	[tilespmem:$0x1F800] =	vst v63  }
0xc1: {  	s26 =	sadd.s32 s9, s16  }
0xc2: {  	s19 =	sshll.u32 s26, $0x4  }
0xc3: {  	s30 =	simm.s32 $0x0;
	s19 =	sadd.s32 s7, s19  }
0xc4: {  	[hbm4b:s19+s30] =	stream.linear.scatter [tilespmem:s10], [sflag:$0x7], $0x6400, $0x38;
	[tilespmem:$0x1F800] =	vst v63  }
0xc5: {  	_ =	swait.ge [sflag:s11], $0x4000  }
0xc6: {  	[sflag:s11] =	ssyncset.done $0x0  }
0xc7: {  	[sflag:s11] =	ssyncadd.s32 $0xFFFFC000  }
0xc8: {  	_ =	swait.ge [sflag:s11], $0x2400  }
0xc9: {  	[sflag:s11] =	ssyncset.done $0x0  }
0xca: {  	[sflag:s11] =	ssyncadd.s32 $0xFFFFDC00  }
0xcb: {  	_ =	swait.ge [sflag:s22], $0x6400  }
0xcc: {  	[sflag:s22] =	ssyncset.done $0x0  }
0xcd: {  	s19 =	simm.s32 $0x0;
	[sflag:s22] =	ssyncadd.s32 $0xFFFF9C00  }
0xce: {  	v2 =	vld [tilespmem:s19+$0x6830]  }
0xcf: {  	v4 =	vld [tilespmem:s19+$0x19430]  }
0xd0: {  	v5 =	vld [tilespmem:s19+$0x6800]  }
0xd1: {  	v6 =	vld [tilespmem:s19+$0x19400]  }
0xd2: {  	v1 =	vld [tilespmem:s19+$0x6810]  }
0xd3: {  	v3 =	vld [tilespmem:s19+$0x19410]  }
0xd4: {  	v0 =	vld [tilespmem:s19+$0x6820];
	v7 =	vadd.f32 v4, v2  }
0xd5: {  	s26 =	simm.s32 $0x80;
	v4 =	vld [tilespmem:s19+$0x19420]  }
0xd6: {  	s29 =	simm.s32 $0x400;
	v2 =	vld [tilespmem:s26+$0x6830];
	v5 =	vadd.f32 v6, v5;
	[tilespmem:s19+$0x13030] =	vst v7  }
.LBB2_9:
0xd7: {  	p1 =	sne.s32 s29, $0x18E00;
	v6 =	vld [tilespmem:s26+$0x19430]  }
0xd8: {  	v7 =	vld [tilespmem:s26+$0x6800];
	[tilespmem:s19+$0x13000] =	vst v5;
	v3 =	vadd.f32 v3, v1  }
0xd9: {  	v5 =	vld [tilespmem:s26+$0x19400]  }
.Ltmp3:
0xda: {  	v1 =	vld [tilespmem:s26+$0x6810];
	[tilespmem:s19+$0x13010] =	vst v3;
	v4 =	vadd.f32 v4, v0;
	(pc) =	sbr.rel @p1 .LBB2_9-.Ltmp3, $4  }
0xdb: {  	v3 =	vld [tilespmem:s26+$0x19410]  }
0xdc: {  	v0 =	vld [tilespmem:s26+$0x6820];
	v6 =	vadd.f32 v6, v2;
	[tilespmem:s19+$0x13020] =	vst v4;
	s19 =	smov.u32 s26  }
0xdd: {  	s26 =	sshra.s32 s29, $0x2;
	v4 =	vld [tilespmem:s19+$0x19420]  }
0xde: {  	s29 =	sadd.s32 $0x200, s29;
	v2 =	vld [tilespmem:s26+$0x6830];
	v5 =	vadd.f32 v5, v7;
	[tilespmem:s19+$0x13030] =	vst v6  }
0xdf: {  	v6 =	vld [tilespmem:s26+$0x19430]  }
0xe0: {  	v7 =	vld [tilespmem:s26+$0x6800];
	[tilespmem:s19+$0x13000] =	vst v5;
	v1 =	vadd.f32 v3, v1  }
0xe1: {  	v62 =	vld [tilespmem:s26+$0x19400]  }
0xe2: {  	v5 =	vld [tilespmem:s26+$0x6810];
	[tilespmem:s19+$0x13010] =	vst v1;
	v0 =	vadd.f32 v4, v0  }
0xe3: {  	v1 =	vld [tilespmem:s26+$0x19410]  }
0xe4: {  	v63 =	vld [tilespmem:s26+$0x6820];
	[tilespmem:s19+$0x13020] =	vst v0  }
0xe5: {  	v0 =	vld [tilespmem:s26+$0x19420];
	_ =	sdelay $0x1  }
0xe6: {  	v2 =	vadd.f32 v6, v2  }
0xe7: {  	v3 =	vadd.f32 v62, v7  }
0xe8: {  	[tilespmem:s26+$0x13030] =	vst v2;
	v1 =	vadd.f32 v1, v5  }
0xe9: {  	[tilespmem:s26+$0x13000] =	vst v3;
	v0 =	vadd.f32 v0, v63  }
0xea: {  	[tilespmem:s26+$0x13010] =	vst v1  }
0xeb: {  	s19 =	simm.s32 @!p0 $0x4;
	[tilespmem:s26+$0x13020] =	vst v0  }
0xec: {  	_ =	swait.ge @!p0 [sflag:s19], $0xC8  }
0xed: {  	s29 =	simm.s32 @!p0 $0x6800;
	[sflag:s19] =	ssyncset.done @!p0 $0x0  }
0xee: {  	s26 =	simm.s32 @!p0 $0x100;
	[sflag:s19] =	ssyncadd.s32 @!p0 $0xFFFFFF38;
	s19 =	simm.s32 @!p0 $0x80  }
0xef: {  	[tilespmem:s29], [sflag:$0x2] =	stream.indirect.gather @!p0 [hbm4b:s2+s19], $0x80, s26, s19, $0xb8;
	[tilespmem:$0x1F800] =	vst v63  }
0xf0: {  	s19 =	simm.s32 @!p0 $0x48;
	s26 =	simm.s32 @!p0 $0x180;
	s29 =	simm.s32 @!p0 $0xA800  }
0xf1: {  	[tilespmem:s29], [sflag:$0x2] =	stream.indirect.gather @!p0 [hbm4b:s2+s19], $0x80, s26, s19, $0xb8;
	[tilespmem:$0x1F800] =	vst v63  }
0xf2: {  	s19 =	sadd.s32 @!p0 s9, s17  }
0xf3: {  	s24 =	sadd.s32 $0x1, s24;
	s19 =	sshrl.u32 @!p0 s19, $0x3  }
0xf4: {  	s26 =	simm.s32 @!p0 $0x0;
	s29 =	simm.s32 @!p0 $0x300;
	s19 =	sadd.s32 @!p0 s1, s19  }
0xf5: {  	[tilespmem:s29], [sflag:$0x6] =	stream.linear.gather @!p0 [hbm4b:s19+s26], $0xC8, $0x38;
	[tilespmem:$0x1F800] =	vst v63  }
0xf6: {  	p0 =	sne.s32 s24, $0x20  }
.Ltmp4:
0xf7: {  	_ = 	snop;
	(pc) =	sbr.rel @p0 .LBB2_2-.Ltmp4, $4  }
0xf8: {  	s30 =	sadd.s32 s9, s18  }
0xf9: {  	s9 =	sshll.u32 s30, $0x4  }
0xfa: {  	s9 =	sadd.s32 s7, s9  }
0xfb: {  	[hbm4b:s9+s5] =	stream.linear.scatter [tilespmem:s8], [sflag:$0x8], $0x6400, $0x38;
	[tilespmem:$0x1F800] =	vst v63  }
0xfc: {  	_ =	swait.ge [sflag:s21], $0x6400  }
0xfd: {  	[sflag:s21] =	ssyncset.done $0x0  }
0xfe: {  	[sflag:s21] =	ssyncadd.s32 $0xFFFF9C00  }
0xff: {  	_ =	swait.ge [sflag:s22], $0x6400  }
0x100: {  	s19 =	rddreg [dreg:$0xa]  }
0x101: {  	s9 =	rddreg [dreg:$0x9];
	s19 =	sadd.s32 $0x1, s19  }
0x102: {  	p0 =	sne.s32 s19, s9  }
.Ltmp5:
0x103: {  	_ = 	snop;
	(pc) =	sbr.rel @p0 .LBB2_1-.Ltmp5, $3  }
0x104: {  	_ =	sdelay $0x1  }
0x105: {  	[sflag:s22] =	ssyncset.done $0x0  }
0x106: {  	[sflag:s22] =	ssyncadd.s32 $0xFFFF9C00  }
0x107: {  	_ =	sfence.sel $0x180000  }
0x108: {  	[bflag:$0x0] =	sbarrier.arrive $0xFFFF  }
0x109: {  	_ =	strace $0x90000047  }
0x10a: {  	s0 =	stileid.u32;
	[bflag:$0x2] =	sbarrier.arrive $0xFFFF  }
0x10b: {  	p0 =	sne.s32 s0, $0x0;
	s0 =	rddreg [dreg:$0x4]  }
0x10c: {  	s0 =	sadd.s32 @!p0 $0x100000, s0  }
0x10d: {  	[sflag:s0] =	ssyncadd.tile.s32 @!p0 $0x1;
	_ =	shalt  }
.Lfunc_end2:
_tile_overlayer_lowered:
.L_overlay_start_2:
0x10e: {  	(tag) =	ssettag $0x2  }
0x10f: {  	s0 =	rddreg [dreg:$0x0];
	s2 =	stileid.u32  }
0x110: {  	s1 =	rddreg [dreg:$0x1];
	p0 =	sne.s32 s2, $0x0  }
0x111: {  	s3 =	rddreg [dreg:$0x2];
	[bflag:$0x3] =	sbarrier.arrive $0xFFFF;
	s2 =	simm.s32 @!p0 $0x1C09  }
0x112: {  	[timem:s3], [sflag:s2] =	dma.local @!p0 [hbm:s0], s1  }
0x113: {  	s0 =	simm.s32 @!p0 $0x9  }
0x114: {  	_ =	swait.ge @!p0 [sflag:s0], s1  }
0x115: {  	s1 =	ssub.s32 @!p0 $0x0, s1;
	[sflag:s0] =	ssyncset.done @!p0 $0x0  }
0x116: {  	[sflag:s0] =	ssyncadd.s32 @!p0 s1  }
0x117: {  	[bflag:$0x3] =	sbarrier.arrive $0xFFFF  }
0x118: {  	_ =	shalt  }

</sc_bundles>
